<compile_context>
chip_gen: v7x
topology: tpu7x:2x2x1
jax: 0.10.2.dev20260603
libtpu: 0.0.44.dev20260713+nightly
codegen_flags: <defaults>
</compile_context>

<pallas_src>
import functools

import jax
import jax.numpy as jnp
from jax import lax
from jax.experimental import pallas as pl
from jax.experimental.pallas import tpu as pltpu
from jax.experimental.pallas import tpu_sc as plsc

VOCAB = 1000000
B = 4096
L = 200
D = 32
NUM_LABELS = 10

NC = 2
NS = 16
NW = NC * NS
RPW = B // NW
NBUF = 8
LANES = 16

L_SPLIT = 128
L_REST = L - L_SPLIT


def _sc_gather_sum(ids_flat, emb):
    mesh = plsc.VectorSubcoreMesh(
        core_axis_name="c", subcore_axis_name="s",
        num_cores=NC, num_subcores=NS)

    @functools.partial(
        pl.kernel,
        out_type=jax.ShapeDtypeStruct((B, D), jnp.float32),
        mesh=mesh,
        compiler_params=pltpu.CompilerParams(use_tc_tiling_on_sc=False),
        scratch_types=dict(
            idx_v=pltpu.VMEM((RPW * L,), jnp.int32),
            rows_v=[pltpu.VMEM((L, D), jnp.float32) for _ in range(NBUF)],
            out_v=pltpu.VMEM((RPW, D), jnp.float32),
            sems=[pltpu.SemaphoreType.DMA for _ in range(NBUF)],
        ),
    )
    def k(ids_hbm, emb_hbm, out_hbm, idx_v, rows_v, out_v, sems):
        wid = lax.axis_index("s") * NC + lax.axis_index("c")
        base = wid * RPW

        pltpu.sync_copy(ids_hbm.at[pl.ds(base * L, RPW * L)], idx_v)

        def fetch(r, buf, sem):
            pltpu.async_copy(
                emb_hbm.at[idx_v.at[pl.ds(r * L, L_SPLIT)]],
                buf.at[pl.ds(0, L_SPLIT)], sem)
            pltpu.async_copy(
                emb_hbm.at[idx_v.at[pl.ds(r * L + L_SPLIT, L_REST)]],
                buf.at[pl.ds(L_SPLIT, L_REST)], sem)

        def drain(r, buf, sem):
            pltpu.make_async_copy(
                emb_hbm.at[idx_v.at[pl.ds(r * L, L_SPLIT)]],
                buf.at[pl.ds(0, L_SPLIT)], sem).wait()
            pltpu.make_async_copy(
                emb_hbm.at[idx_v.at[pl.ds(r * L + L_SPLIT, L_REST)]],
                buf.at[pl.ds(L_SPLIT, L_REST)], sem).wait()

        for j in range(NBUF):
            fetch(j, rows_v[j], sems[j])

        zero = jnp.zeros((LANES,), jnp.float32)

        def outer(i, carry):
            r0 = i * NBUF
            for j in range(NBUF):
                r = r0 + j
                drain(r, rows_v[j], sems[j])

                def red(l, acc):
                    a0, a1 = acc
                    a0 = a0 + rows_v[j][l, pl.ds(0, LANES)]
                    a1 = a1 + rows_v[j][l, pl.ds(LANES, LANES)]
                    return (a0, a1)

                a0, a1 = lax.fori_loop(0, L, red, (zero, zero), unroll=8)
                out_v[r, pl.ds(0, LANES)] = a0
                out_v[r, pl.ds(LANES, LANES)] = a1

                @pl.when(r + NBUF < RPW)
                def _():
                    fetch(r + NBUF, rows_v[j], sems[j])
            return carry

        lax.fori_loop(0, RPW // NBUF, outer, 0)

        pltpu.sync_copy(out_v, out_hbm.at[pl.ds(base, RPW)])

    return k(ids_flat, emb)


def _tc_head(sums, lengths2d, wt, b2):
    def body(s_ref, len_ref, wt_ref, b_ref, o_ref):
        den = jnp.maximum(len_ref[...].astype(jnp.float32), 1.0)
        mean = s_ref[...] / den
        o_ref[...] = (
            jnp.dot(mean, wt_ref[...], preferred_element_type=jnp.float32)
            + b_ref[...])

    return pl.pallas_call(
        body,
        out_shape=jax.ShapeDtypeStruct((B, NUM_LABELS), jnp.float32),
    )(sums, lengths2d, wt, b2)


def kernel(ids, lengths, emb, W, b):
    sums = _sc_gather_sum(ids.reshape(B * L), emb)
    return _tc_head(sums, lengths.reshape(B, 1), W.T, b.reshape(1, NUM_LABELS))

# --- scband reference (transcript-rebuilt; emitter-appended) ---
"""Pipeline reference for scband-mean-embed-classifier-88648124990206 (READ-ONLY COPY).

The authoritative reference and input builder live on the scoring server;
editing this copy changes nothing except your own understanding.
"""

import jax, jax.numpy as jnp
import numpy as np

VOCAB = 1000000
EMBED_DIM = 32
NUM_LABELS = 10
B = 4096
L = 200

def setup_inputs(seed: int = 0) -> dict:
    key = jax.random.key(seed)
    k1, k2, k3, k4, k5 = jax.random.split(key, 5)
    ids = jax.random.randint(k1, (B, L), 0, VOCAB, dtype=jnp.int64 if jax.config.jax_enable_x64 else jnp.int32)
    lengths = jax.random.randint(k2, (B,), 0, L, dtype=jnp.int64 if jax.config.jax_enable_x64 else jnp.int32)
    emb = jax.random.normal(k3, (VOCAB, EMBED_DIM), dtype=jnp.float32)
    emb = emb.at[0].set(0.0)  # padding_idx=0
    W = jax.random.normal(k4, (NUM_LABELS, EMBED_DIM), dtype=jnp.float32) * (1.0 / np.sqrt(EMBED_DIM))
    b = jax.random.normal(k5, (NUM_LABELS,), dtype=jnp.float32) * 0.01
    return {"ids": ids, "lengths": lengths, "emb": emb, "W": W, "b": b}

def reference(ids, lengths, emb, W, b):
    x = jnp.take(emb, ids, axis=0)  # [B, L, D]
    mask = (ids != 0).astype(x.dtype)[..., None]
    x = x * mask
    denom = jnp.clip(lengths, 1, None).astype(x.dtype)[:, None]
    mean = x.sum(axis=1) / denom  # [B, D]
    return mean @ W.T + b

if __name__ == "__main__":
    import jax
    _d = setup_inputs()
    print(jax.jit(kernel)(*tuple(_d.values())))

</pallas_src>

<mosaic_0001>
#map = affine_map<(d0, d1) -> (0)>
#map1 = affine_map<(d0, d1) -> (0, 0)>
module attributes {stable_mosaic.version = 14 : i64} {
  func.func @k(%arg0: i32, %arg1: i32, %arg2: memref<819200xi32, #tpu.memory_space<hbm>>, %arg3: memref<1000000x32xf32, #tpu.memory_space<hbm>>, %arg4: memref<4096x32xf32, #tpu.memory_space<hbm>>, %arg5: memref<25600xi32, #tpu.memory_space<vmem>>, %arg6: memref<128x32xf32, #tpu.memory_space<vmem>>, %arg7: memref<200x32xf32, #tpu.memory_space<vmem>>, %arg8: memref<200x32xf32, #tpu.memory_space<vmem>>, %arg9: memref<200x32xf32, #tpu.memory_space<vmem>>, %arg10: memref<200x32xf32, #tpu.memory_space<vmem>>, %arg11: memref<200x32xf32, #tpu.memory_space<vmem>>, %arg12: memref<200x32xf32, #tpu.memory_space<vmem>>, %arg13: memref<200x32xf32, #tpu.memory_space<vmem>>, %arg14: memref<200x32xf32, #tpu.memory_space<vmem>>, %arg15: memref<!tpu.dma_semaphore, #tpu.memory_space<semaphore_mem>>, %arg16: memref<!tpu.dma_semaphore, #tpu.memory_space<semaphore_mem>>, %arg17: memref<!tpu.dma_semaphore, #tpu.memory_space<semaphore_mem>>, %arg18: memref<!tpu.dma_semaphore, #tpu.memory_space<semaphore_mem>>, %arg19: memref<!tpu.dma_semaphore, #tpu.memory_space<semaphore_mem>>, %arg20: memref<!tpu.dma_semaphore, #tpu.memory_space<semaphore_mem>>, %arg21: memref<!tpu.dma_semaphore, #tpu.memory_space<semaphore_mem>>, %arg22: memref<!tpu.dma_semaphore, #tpu.memory_space<semaphore_mem>>) attributes {dimension_semantics = [#tpu.dimension_semantics<core_parallel>, #tpu.dimension_semantics<subcore_parallel>], iteration_bounds = array<i64: 2, 16>, scalar_prefetch = 0 : i64, scratch_operands = 18 : i64, tpu.core_type = #tpu.core_type<sc_vector_subcore>, window_params = [{transform_indices = #map}, {transform_indices = #map1}, {transform_indices = #map1}]} {
    %mul3A = arith.constant 2 : i32
    %mul3A_0 = arith.muli %arg1, %mul3A : i32
    %add3A = arith.addi %mul3A_0, %arg0 : i32
    %mul3A_1 = arith.constant 128 : i32
    %mul3A_2 = arith.muli %add3A, %mul3A_1 : i32
    %mul3A_3 = arith.constant 200 : i32
    %mul3A_4 = arith.muli %mul3A_2, %mul3A_3 : i32
    "tpu.region"() ({
      %run_scoped3A = tpu.sem_alloc : memref<!tpu.dma_semaphore, #tpu.memory_space<semaphore_mem>>
      %dma_start3A_138 = tpu.memref_slice %arg2[%mul3A_4] : memref<819200xi32, #tpu.memory_space<hbm>> -> memref<25600xi32, #tpu.memory_space<hbm>>
      %dma_start3A_139 = tpu.memref_slice %arg2[%mul3A_4] : memref<819200xi32, #tpu.memory_space<hbm>> -> memref<25600xi32, #tpu.memory_space<hbm>>
      tpu.enqueue_dma source(%dma_start3A_139 : memref<25600xi32, #tpu.memory_space<hbm>>) target(%arg5 : memref<25600xi32, #tpu.memory_space<vmem>>) target_semaphore(%run_scoped3A : memref<!tpu.dma_semaphore, #tpu.memory_space<semaphore_mem>>)
      %dma_wait3A = tpu.memref_slice %arg2[%mul3A_4] : memref<819200xi32, #tpu.memory_space<hbm>> -> memref<25600xi32, #tpu.memory_space<hbm>>
      %dma_wait3A_140 = tpu.memref_slice %arg2[%mul3A_4] : memref<819200xi32, #tpu.memory_space<hbm>> -> memref<25600xi32, #tpu.memory_space<hbm>>
      tpu.wait_dma2 semaphore(%run_scoped3A : memref<!tpu.dma_semaphore, #tpu.memory_space<semaphore_mem>>) src(%dma_wait3A_140 : memref<25600xi32, #tpu.memory_space<hbm>>) dst(%arg5 : memref<25600xi32, #tpu.memory_space<vmem>>)
      tpu.yield
    }) : () -> ()
    %dma_start3A = arith.constant 0 : i32
    %dma_start3A_5 = arith.constant 0 : i32
    %dma_start3A_6 = tpu.memref_slice %arg7[%dma_start3A, %dma_start3A_5] : memref<200x32xf32, #tpu.memory_space<vmem>> -> memref<128x32xf32, #tpu.memory_space<vmem>>
    %dma_start3A_7 = arith.constant 0 : i32
    %dma_start3A_8 = tpu.memref_slice %arg5[%dma_start3A_7] : memref<25600xi32, #tpu.memory_space<vmem>> -> memref<128xi32, #tpu.memory_space<vmem>>
    %dma_start3A_9 = arith.constant 0 : i32
    %dma_start3A_10 = arith.constant 0 : i32
    %dma_start3A_11 = tpu.memref_slice %arg3[%dma_start3A_9, %dma_start3A_10] : memref<1000000x32xf32, #tpu.memory_space<hbm>> -> memref<1000000x32xf32, #tpu.memory_space<hbm>>
    tpu.enqueue_indirect_dma source(%dma_start3A_11 : memref<1000000x32xf32, #tpu.memory_space<hbm>>) target(%dma_start3A_6 : memref<128x32xf32, #tpu.memory_space<vmem>>) offsets(%dma_start3A_8 : memref<128xi32, #tpu.memory_space<vmem>>) semaphore(%arg15 : memref<!tpu.dma_semaphore, #tpu.memory_space<semaphore_mem>>)
    %dma_start3A_12 = arith.constant 128 : i32
    %dma_start3A_13 = arith.constant 0 : i32
    %dma_start3A_14 = tpu.memref_slice %arg7[%dma_start3A_12, %dma_start3A_13] : memref<200x32xf32, #tpu.memory_space<vmem>> -> memref<72x32xf32, #tpu.memory_space<vmem>>
    %dma_start3A_15 = arith.constant 128 : i32
    %dma_start3A_16 = tpu.memref_slice %arg5[%dma_start3A_15] : memref<25600xi32, #tpu.memory_space<vmem>> -> memref<72xi32, #tpu.memory_space<vmem>>
    %dma_start3A_17 = arith.constant 0 : i32
    %dma_start3A_18 = arith.constant 0 : i32
    %dma_start3A_19 = tpu.memref_slice %arg3[%dma_start3A_17, %dma_start3A_18] : memref<1000000x32xf32, #tpu.memory_space<hbm>> -> memref<1000000x32xf32, #tpu.memory_space<hbm>>
    tpu.enqueue_indirect_dma source(%dma_start3A_19 : memref<1000000x32xf32, #tpu.memory_space<hbm>>) target(%dma_start3A_14 : memref<72x32xf32, #tpu.memory_space<vmem>>) offsets(%dma_start3A_16 : memref<72xi32, #tpu.memory_space<vmem>>) semaphore(%arg15 : memref<!tpu.dma_semaphore, #tpu.memory_space<semaphore_mem>>)
    %dma_start3A_20 = arith.constant 0 : i32
    %dma_start3A_21 = arith.constant 0 : i32
    %dma_start3A_22 = tpu.memref_slice %arg8[%dma_start3A_20, %dma_start3A_21] : memref<200x32xf32, #tpu.memory_space<vmem>> -> memref<128x32xf32, #tpu.memory_space<vmem>>
    %dma_start3A_23 = arith.constant 200 : i32
    %dma_start3A_24 = tpu.memref_slice %arg5[%dma_start3A_23] : memref<25600xi32, #tpu.memory_space<vmem>> -> memref<128xi32, #tpu.memory_space<vmem>>
    %dma_start3A_25 = arith.constant 0 : i32
    %dma_start3A_26 = arith.constant 0 : i32
    %dma_start3A_27 = tpu.memref_slice %arg3[%dma_start3A_25, %dma_start3A_26] : memref<1000000x32xf32, #tpu.memory_space<hbm>> -> memref<1000000x32xf32, #tpu.memory_space<hbm>>
    tpu.enqueue_indirect_dma source(%dma_start3A_27 : memref<1000000x32xf32, #tpu.memory_space<hbm>>) target(%dma_start3A_22 : memref<128x32xf32, #tpu.memory_space<vmem>>) offsets(%dma_start3A_24 : memref<128xi32, #tpu.memory_space<vmem>>) semaphore(%arg16 : memref<!tpu.dma_semaphore, #tpu.memory_space<semaphore_mem>>)
    %dma_start3A_28 = arith.constant 128 : i32
    %dma_start3A_29 = arith.constant 0 : i32
    %dma_start3A_30 = tpu.memref_slice %arg8[%dma_start3A_28, %dma_start3A_29] : memref<200x32xf32, #tpu.memory_space<vmem>> -> memref<72x32xf32, #tpu.memory_space<vmem>>
    %dma_start3A_31 = arith.constant 328 : i32
    %dma_start3A_32 = tpu.memref_slice %arg5[%dma_start3A_31] : memref<25600xi32, #tpu.memory_space<vmem>> -> memref<72xi32, #tpu.memory_space<vmem>>
    %dma_start3A_33 = arith.constant 0 : i32
    %dma_start3A_34 = arith.constant 0 : i32
    %dma_start3A_35 = tpu.memref_slice %arg3[%dma_start3A_33, %dma_start3A_34] : memref<1000000x32xf32, #tpu.memory_space<hbm>> -> memref<1000000x32xf32, #tpu.memory_space<hbm>>
    tpu.enqueue_indirect_dma source(%dma_start3A_35 : memref<1000000x32xf32, #tpu.memory_space<hbm>>) target(%dma_start3A_30 : memref<72x32xf32, #tpu.memory_space<vmem>>) offsets(%dma_start3A_32 : memref<72xi32, #tpu.memory_space<vmem>>) semaphore(%arg16 : memref<!tpu.dma_semaphore, #tpu.memory_space<semaphore_mem>>)
    %dma_start3A_36 = arith.constant 0 : i32
    %dma_start3A_37 = arith.constant 0 : i32
    %dma_start3A_38 = tpu.memref_slice %arg9[%dma_start3A_36, %dma_start3A_37] : memref<200x32xf32, #tpu.memory_space<vmem>> -> memref<128x32xf32, #tpu.memory_space<vmem>>
    %dma_start3A_39 = arith.constant 400 : i32
    %dma_start3A_40 = tpu.memref_slice %arg5[%dma_start3A_39] : memref<25600xi32, #tpu.memory_space<vmem>> -> memref<128xi32, #tpu.memory_space<vmem>>
    %dma_start3A_41 = arith.constant 0 : i32
    %dma_start3A_42 = arith.constant 0 : i32
    %dma_start3A_43 = tpu.memref_slice %arg3[%dma_start3A_41, %dma_start3A_42] : memref<1000000x32xf32, #tpu.memory_space<hbm>> -> memref<1000000x32xf32, #tpu.memory_space<hbm>>
    tpu.enqueue_indirect_dma source(%dma_start3A_43 : memref<1000000x32xf32, #tpu.memory_space<hbm>>) target(%dma_start3A_38 : memref<128x32xf32, #tpu.memory_space<vmem>>) offsets(%dma_start3A_40 : memref<128xi32, #tpu.memory_space<vmem>>) semaphore(%arg17 : memref<!tpu.dma_semaphore, #tpu.memory_space<semaphore_mem>>)
    %dma_start3A_44 = arith.constant 128 : i32
    %dma_start3A_45 = arith.constant 0 : i32
    %dma_start3A_46 = tpu.memref_slice %arg9[%dma_start3A_44, %dma_start3A_45] : memref<200x32xf32, #tpu.memory_space<vmem>> -> memref<72x32xf32, #tpu.memory_space<vmem>>
    %dma_start3A_47 = arith.constant 528 : i32
    %dma_start3A_48 = tpu.memref_slice %arg5[%dma_start3A_47] : memref<25600xi32, #tpu.memory_space<vmem>> -> memref<72xi32, #tpu.memory_space<vmem>>
    %dma_start3A_49 = arith.constant 0 : i32
    %dma_start3A_50 = arith.constant 0 : i32
    %dma_start3A_51 = tpu.memref_slice %arg3[%dma_start3A_49, %dma_start3A_50] : memref<1000000x32xf32, #tpu.memory_space<hbm>> -> memref<1000000x32xf32, #tpu.memory_space<hbm>>
    tpu.enqueue_indirect_dma source(%dma_start3A_51 : memref<1000000x32xf32, #tpu.memory_space<hbm>>) target(%dma_start3A_46 : memref<72x32xf32, #tpu.memory_space<vmem>>) offsets(%dma_start3A_48 : memref<72xi32, #tpu.memory_space<vmem>>) semaphore(%arg17 : memref<!tpu.dma_semaphore, #tpu.memory_space<semaphore_mem>>)
    %dma_start3A_52 = arith.constant 0 : i32
    %dma_start3A_53 = arith.constant 0 : i32
    %dma_start3A_54 = tpu.memref_slice %arg10[%dma_start3A_52, %dma_start3A_53] : memref<200x32xf32, #tpu.memory_space<vmem>> -> memref<128x32xf32, #tpu.memory_space<vmem>>
    %dma_start3A_55 = arith.constant 600 : i32
    %dma_start3A_56 = tpu.memref_slice %arg5[%dma_start3A_55] : memref<25600xi32, #tpu.memory_space<vmem>> -> memref<128xi32, #tpu.memory_space<vmem>>
    %dma_start3A_57 = arith.constant 0 : i32
    %dma_start3A_58 = arith.constant 0 : i32
    %dma_start3A_59 = tpu.memref_slice %arg3[%dma_start3A_57, %dma_start3A_58] : memref<1000000x32xf32, #tpu.memory_space<hbm>> -> memref<1000000x32xf32, #tpu.memory_space<hbm>>
    tpu.enqueue_indirect_dma source(%dma_start3A_59 : memref<1000000x32xf32, #tpu.memory_space<hbm>>) target(%dma_start3A_54 : memref<128x32xf32, #tpu.memory_space<vmem>>) offsets(%dma_start3A_56 : memref<128xi32, #tpu.memory_space<vmem>>) semaphore(%arg18 : memref<!tpu.dma_semaphore, #tpu.memory_space<semaphore_mem>>)
    %dma_start3A_60 = arith.constant 128 : i32
    %dma_start3A_61 = arith.constant 0 : i32
    %dma_start3A_62 = tpu.memref_slice %arg10[%dma_start3A_60, %dma_start3A_61] : memref<200x32xf32, #tpu.memory_space<vmem>> -> memref<72x32xf32, #tpu.memory_space<vmem>>
    %dma_start3A_63 = arith.constant 728 : i32
    %dma_start3A_64 = tpu.memref_slice %arg5[%dma_start3A_63] : memref<25600xi32, #tpu.memory_space<vmem>> -> memref<72xi32, #tpu.memory_space<vmem>>
    %dma_start3A_65 = arith.constant 0 : i32
    %dma_start3A_66 = arith.constant 0 : i32
    %dma_start3A_67 = tpu.memref_slice %arg3[%dma_start3A_65, %dma_start3A_66] : memref<1000000x32xf32, #tpu.memory_space<hbm>> -> memref<1000000x32xf32, #tpu.memory_space<hbm>>
    tpu.enqueue_indirect_dma source(%dma_start3A_67 : memref<1000000x32xf32, #tpu.memory_space<hbm>>) target(%dma_start3A_62 : memref<72x32xf32, #tpu.memory_space<vmem>>) offsets(%dma_start3A_64 : memref<72xi32, #tpu.memory_space<vmem>>) semaphore(%arg18 : memref<!tpu.dma_semaphore, #tpu.memory_space<semaphore_mem>>)
    %dma_start3A_68 = arith.constant 0 : i32
    %dma_start3A_69 = arith.constant 0 : i32
    %dma_start3A_70 = tpu.memref_slice %arg11[%dma_start3A_68, %dma_start3A_69] : memref<200x32xf32, #tpu.memory_space<vmem>> -> memref<128x32xf32, #tpu.memory_space<vmem>>
    %dma_start3A_71 = arith.constant 800 : i32
    %dma_start3A_72 = tpu.memref_slice %arg5[%dma_start3A_71] : memref<25600xi32, #tpu.memory_space<vmem>> -> memref<128xi32, #tpu.memory_space<vmem>>
    %dma_start3A_73 = arith.constant 0 : i32
    %dma_start3A_74 = arith.constant 0 : i32
    %dma_start3A_75 = tpu.memref_slice %arg3[%dma_start3A_73, %dma_start3A_74] : memref<1000000x32xf32, #tpu.memory_space<hbm>> -> memref<1000000x32xf32, #tpu.memory_space<hbm>>
    tpu.enqueue_indirect_dma source(%dma_start3A_75 : memref<1000000x32xf32, #tpu.memory_space<hbm>>) target(%dma_start3A_70 : memref<128x32xf32, #tpu.memory_space<vmem>>) offsets(%dma_start3A_72 : memref<128xi32, #tpu.memory_space<vmem>>) semaphore(%arg19 : memref<!tpu.dma_semaphore, #tpu.memory_space<semaphore_mem>>)
    %dma_start3A_76 = arith.constant 128 : i32
    %dma_start3A_77 = arith.constant 0 : i32
    %dma_start3A_78 = tpu.memref_slice %arg11[%dma_start3A_76, %dma_start3A_77] : memref<200x32xf32, #tpu.memory_space<vmem>> -> memref<72x32xf32, #tpu.memory_space<vmem>>
    %dma_start3A_79 = arith.constant 928 : i32
    %dma_start3A_80 = tpu.memref_slice %arg5[%dma_start3A_79] : memref<25600xi32, #tpu.memory_space<vmem>> -> memref<72xi32, #tpu.memory_space<vmem>>
    %dma_start3A_81 = arith.constant 0 : i32
    %dma_start3A_82 = arith.constant 0 : i32
    %dma_start3A_83 = tpu.memref_slice %arg3[%dma_start3A_81, %dma_start3A_82] : memref<1000000x32xf32, #tpu.memory_space<hbm>> -> memref<1000000x32xf32, #tpu.memory_space<hbm>>
    tpu.enqueue_indirect_dma source(%dma_start3A_83 : memref<1000000x32xf32, #tpu.memory_space<hbm>>) target(%dma_start3A_78 : memref<72x32xf32, #tpu.memory_space<vmem>>) offsets(%dma_start3A_80 : memref<72xi32, #tpu.memory_space<vmem>>) semaphore(%arg19 : memref<!tpu.dma_semaphore, #tpu.memory_space<semaphore_mem>>)
    %dma_start3A_84 = arith.constant 0 : i32
    %dma_start3A_85 = arith.constant 0 : i32
    %dma_start3A_86 = tpu.memref_slice %arg12[%dma_start3A_84, %dma_start3A_85] : memref<200x32xf32, #tpu.memory_space<vmem>> -> memref<128x32xf32, #tpu.memory_space<vmem>>
    %dma_start3A_87 = arith.constant 1000 : i32
    %dma_start3A_88 = tpu.memref_slice %arg5[%dma_start3A_87] : memref<25600xi32, #tpu.memory_space<vmem>> -> memref<128xi32, #tpu.memory_space<vmem>>
    %dma_start3A_89 = arith.constant 0 : i32
    %dma_start3A_90 = arith.constant 0 : i32
    %dma_start3A_91 = tpu.memref_slice %arg3[%dma_start3A_89, %dma_start3A_90] : memref<1000000x32xf32, #tpu.memory_space<hbm>> -> memref<1000000x32xf32, #tpu.memory_space<hbm>>
    tpu.enqueue_indirect_dma source(%dma_start3A_91 : memref<1000000x32xf32, #tpu.memory_space<hbm>>) target(%dma_start3A_86 : memref<128x32xf32, #tpu.memory_space<vmem>>) offsets(%dma_start3A_88 : memref<128xi32, #tpu.memory_space<vmem>>) semaphore(%arg20 : memref<!tpu.dma_semaphore, #tpu.memory_space<semaphore_mem>>)
    %dma_start3A_92 = arith.constant 128 : i32
    %dma_start3A_93 = arith.constant 0 : i32
    %dma_start3A_94 = tpu.memref_slice %arg12[%dma_start3A_92, %dma_start3A_93] : memref<200x32xf32, #tpu.memory_space<vmem>> -> memref<72x32xf32, #tpu.memory_space<vmem>>
    %dma_start3A_95 = arith.constant 1128 : i32
    %dma_start3A_96 = tpu.memref_slice %arg5[%dma_start3A_95] : memref<25600xi32, #tpu.memory_space<vmem>> -> memref<72xi32, #tpu.memory_space<vmem>>
    %dma_start3A_97 = arith.constant 0 : i32
    %dma_start3A_98 = arith.constant 0 : i32
    %dma_start3A_99 = tpu.memref_slice %arg3[%dma_start3A_97, %dma_start3A_98] : memref<1000000x32xf32, #tpu.memory_space<hbm>> -> memref<1000000x32xf32, #tpu.memory_space<hbm>>
    tpu.enqueue_indirect_dma source(%dma_start3A_99 : memref<1000000x32xf32, #tpu.memory_space<hbm>>) target(%dma_start3A_94 : memref<72x32xf32, #tpu.memory_space<vmem>>) offsets(%dma_start3A_96 : memref<72xi32, #tpu.memory_space<vmem>>) semaphore(%arg20 : memref<!tpu.dma_semaphore, #tpu.memory_space<semaphore_mem>>)
    %dma_start3A_100 = arith.constant 0 : i32
    %dma_start3A_101 = arith.constant 0 : i32
    %dma_start3A_102 = tpu.memref_slice %arg13[%dma_start3A_100, %dma_start3A_101] : memref<200x32xf32, #tpu.memory_space<vmem>> -> memref<128x32xf32, #tpu.memory_space<vmem>>
    %dma_start3A_103 = arith.constant 1200 : i32
    %dma_start3A_104 = tpu.memref_slice %arg5[%dma_start3A_103] : memref<25600xi32, #tpu.memory_space<vmem>> -> memref<128xi32, #tpu.memory_space<vmem>>
    %dma_start3A_105 = arith.constant 0 : i32
    %dma_start3A_106 = arith.constant 0 : i32
    %dma_start3A_107 = tpu.memref_slice %arg3[%dma_start3A_105, %dma_start3A_106] : memref<1000000x32xf32, #tpu.memory_space<hbm>> -> memref<1000000x32xf32, #tpu.memory_space<hbm>>
    tpu.enqueue_indirect_dma source(%dma_start3A_107 : memref<1000000x32xf32, #tpu.memory_space<hbm>>) target(%dma_start3A_102 : memref<128x32xf32, #tpu.memory_space<vmem>>) offsets(%dma_start3A_104 : memref<128xi32, #tpu.memory_space<vmem>>) semaphore(%arg21 : memref<!tpu.dma_semaphore, #tpu.memory_space<semaphore_mem>>)
    %dma_start3A_108 = arith.constant 128 : i32
    %dma_start3A_109 = arith.constant 0 : i32
    %dma_start3A_110 = tpu.memref_slice %arg13[%dma_start3A_108, %dma_start3A_109] : memref<200x32xf32, #tpu.memory_space<vmem>> -> memref<72x32xf32, #tpu.memory_space<vmem>>
    %dma_start3A_111 = arith.constant 1328 : i32
    %dma_start3A_112 = tpu.memref_slice %arg5[%dma_start3A_111] : memref<25600xi32, #tpu.memory_space<vmem>> -> memref<72xi32, #tpu.memory_space<vmem>>
    %dma_start3A_113 = arith.constant 0 : i32
    %dma_start3A_114 = arith.constant 0 : i32
    %dma_start3A_115 = tpu.memref_slice %arg3[%dma_start3A_113, %dma_start3A_114] : memref<1000000x32xf32, #tpu.memory_space<hbm>> -> memref<1000000x32xf32, #tpu.memory_space<hbm>>
    tpu.enqueue_indirect_dma source(%dma_start3A_115 : memref<1000000x32xf32, #tpu.memory_space<hbm>>) target(%dma_start3A_110 : memref<72x32xf32, #tpu.memory_space<vmem>>) offsets(%dma_start3A_112 : memref<72xi32, #tpu.memory_space<vmem>>) semaphore(%arg21 : memref<!tpu.dma_semaphore, #tpu.memory_space<semaphore_mem>>)
    %dma_start3A_116 = arith.constant 0 : i32
    %dma_start3A_117 = arith.constant 0 : i32
    %dma_start3A_118 = tpu.memref_slice %arg14[%dma_start3A_116, %dma_start3A_117] : memref<200x32xf32, #tpu.memory_space<vmem>> -> memref<128x32xf32, #tpu.memory_space<vmem>>
    %dma_start3A_119 = arith.constant 1400 : i32
    %dma_start3A_120 = tpu.memref_slice %arg5[%dma_start3A_119] : memref<25600xi32, #tpu.memory_space<vmem>> -> memref<128xi32, #tpu.memory_space<vmem>>
    %dma_start3A_121 = arith.constant 0 : i32
    %dma_start3A_122 = arith.constant 0 : i32
    %dma_start3A_123 = tpu.memref_slice %arg3[%dma_start3A_121, %dma_start3A_122] : memref<1000000x32xf32, #tpu.memory_space<hbm>> -> memref<1000000x32xf32, #tpu.memory_space<hbm>>
    tpu.enqueue_indirect_dma source(%dma_start3A_123 : memref<1000000x32xf32, #tpu.memory_space<hbm>>) target(%dma_start3A_118 : memref<128x32xf32, #tpu.memory_space<vmem>>) offsets(%dma_start3A_120 : memref<128xi32, #tpu.memory_space<vmem>>) semaphore(%arg22 : memref<!tpu.dma_semaphore, #tpu.memory_space<semaphore_mem>>)
    %dma_start3A_124 = arith.constant 128 : i32
    %dma_start3A_125 = arith.constant 0 : i32
    %dma_start3A_126 = tpu.memref_slice %arg14[%dma_start3A_124, %dma_start3A_125] : memref<200x32xf32, #tpu.memory_space<vmem>> -> memref<72x32xf32, #tpu.memory_space<vmem>>
    %dma_start3A_127 = arith.constant 1528 : i32
    %dma_start3A_128 = tpu.memref_slice %arg5[%dma_start3A_127] : memref<25600xi32, #tpu.memory_space<vmem>> -> memref<72xi32, #tpu.memory_space<vmem>>
    %dma_start3A_129 = arith.constant 0 : i32
    %dma_start3A_130 = arith.constant 0 : i32
    %dma_start3A_131 = tpu.memref_slice %arg3[%dma_start3A_129, %dma_start3A_130] : memref<1000000x32xf32, #tpu.memory_space<hbm>> -> memref<1000000x32xf32, #tpu.memory_space<hbm>>
    tpu.enqueue_indirect_dma source(%dma_start3A_131 : memref<1000000x32xf32, #tpu.memory_space<hbm>>) target(%dma_start3A_126 : memref<72x32xf32, #tpu.memory_space<vmem>>) offsets(%dma_start3A_128 : memref<72xi32, #tpu.memory_space<vmem>>) semaphore(%arg22 : memref<!tpu.dma_semaphore, #tpu.memory_space<semaphore_mem>>)
    %broadcast_in_dim3A = arith.constant 0.000000e+00 : f32
    %broadcast_in_dim3A_132 = vector.broadcast %broadcast_in_dim3A : f32 to vector<16xf32>
    %scan3A = arith.constant 0 : i32
    %scan3A_133 = arith.constant 0 : i32
    %scan3A_134 = arith.constant 16 : i32
    %scan3A_135 = arith.addi %scan3A_133, %scan3A_134 : i32
    %scan3A_136 = arith.constant 1 : i32
    scf.for %scan3A_138 = %scan3A_133 to %scan3A_135 step %scan3A_136  : i32 {
      %mul3A_139 = arith.constant 8 : i32
      %mul3A_140 = arith.muli %scan3A_138, %mul3A_139 : i32
      %add3A_141 = arith.constant 0 : i32
      %add3A_142 = arith.addi %mul3A_140, %add3A_141 : i32
      %mul3A_143 = arith.constant 200 : i32
      %mul3A_144 = arith.muli %add3A_142, %mul3A_143 : i32
      %dma_wait3A = arith.constant 0 : i32
      %dma_wait3A_145 = arith.constant 0 : i32
      %dma_wait3A_146 = tpu.memref_slice %arg7[%dma_wait3A, %dma_wait3A_145] : memref<200x32xf32, #tpu.memory_space<vmem>> -> memref<128x32xf32, #tpu.memory_space<vmem>>
      %dma_wait3A_147 = tpu.memref_slice %arg5[%mul3A_144] : memref<25600xi32, #tpu.memory_space<vmem>> -> memref<128xi32, #tpu.memory_space<vmem>>
      %dma_wait3A_148 = arith.constant 0 : i32
      %dma_wait3A_149 = arith.constant 0 : i32
      %dma_wait3A_150 = tpu.memref_slice %arg3[%dma_wait3A_148, %dma_wait3A_149] : memref<1000000x32xf32, #tpu.memory_space<hbm>> -> memref<1000000x32xf32, #tpu.memory_space<hbm>>
      tpu.wait_indirect_dma semaphore(%arg15 : memref<!tpu.dma_semaphore, #tpu.memory_space<semaphore_mem>>) src(%dma_wait3A_150 : memref<1000000x32xf32, #tpu.memory_space<hbm>>) dst(%dma_wait3A_146 : memref<128x32xf32, #tpu.memory_space<vmem>>)
      %mul3A_151 = arith.constant 200 : i32
      %mul3A_152 = arith.muli %add3A_142, %mul3A_151 : i32
      %add3A_153 = arith.constant 128 : i32
      %add3A_154 = arith.addi %mul3A_152, %add3A_153 : i32
      %dma_wait3A_155 = arith.constant 128 : i32
      %dma_wait3A_156 = arith.constant 0 : i32
      %dma_wait3A_157 = tpu.memref_slice %arg7[%dma_wait3A_155, %dma_wait3A_156] : memref<200x32xf32, #tpu.memory_space<vmem>> -> memref<72x32xf32, #tpu.memory_space<vmem>>
      %dma_wait3A_158 = tpu.memref_slice %arg5[%add3A_154] : memref<25600xi32, #tpu.memory_space<vmem>> -> memref<72xi32, #tpu.memory_space<vmem>>
      %dma_wait3A_159 = arith.constant 0 : i32
      %dma_wait3A_160 = arith.constant 0 : i32
      %dma_wait3A_161 = tpu.memref_slice %arg3[%dma_wait3A_159, %dma_wait3A_160] : memref<1000000x32xf32, #tpu.memory_space<hbm>> -> memref<1000000x32xf32, #tpu.memory_space<hbm>>
      tpu.wait_indirect_dma semaphore(%arg15 : memref<!tpu.dma_semaphore, #tpu.memory_space<semaphore_mem>>) src(%dma_wait3A_161 : memref<1000000x32xf32, #tpu.memory_space<hbm>>) dst(%dma_wait3A_157 : memref<72x32xf32, #tpu.memory_space<vmem>>)
      %scan3A_162 = arith.constant 0 : i32
      %scan3A_163 = arith.constant 200 : i32
      %scan3A_164 = arith.addi %scan3A_162, %scan3A_163 : i32
      %scan3A_165 = arith.constant 8 : i32
      %scan3A_166:2 = scf.for %scan3A_496 = %scan3A_162 to %scan3A_164 step %scan3A_165 iter_args(%scan3A_497 = %broadcast_in_dim3A_132, %scan3A_498 = %broadcast_in_dim3A_132) -> (vector<16xf32>, vector<16xf32>)  : i32 {
        %get3A = arith.index_cast %scan3A_496 : i32 to index
        %get3A_499 = arith.constant 0 : index
        %get3A_500 = tpu.vector_load %arg7[%get3A, %get3A_499] {strides = array<i32>} : memref<200x32xf32, #tpu.memory_space<vmem>>, vector<1x16xf32>,
        %get3A_501 = vector.shape_cast %get3A_500 : vector<1x16xf32> to vector<16xf32>
        %add3A_502 = arith.addf %scan3A_497, %get3A_501 : vector<16xf32>
        %get3A_503 = arith.index_cast %scan3A_496 : i32 to index
        %get3A_504 = arith.constant 16 : index
        %get3A_505 = tpu.vector_load %arg7[%get3A_503, %get3A_504] {strides = array<i32>} : memref<200x32xf32, #tpu.memory_space<vmem>>, vector<1x16xf32>,
        %get3A_506 = vector.shape_cast %get3A_505 : vector<1x16xf32> to vector<16xf32>
        %add3A_507 = arith.addf %scan3A_498, %get3A_506 : vector<16xf32>
        %scan3A_508 = arith.constant 1 : i32
        %scan3A_509 = arith.addi %scan3A_496, %scan3A_508 : i32
        %get3A_510 = arith.index_cast %scan3A_509 : i32 to index
        %get3A_511 = arith.constant 0 : index
        %get3A_512 = tpu.vector_load %arg7[%get3A_510, %get3A_511] {strides = array<i32>} : memref<200x32xf32, #tpu.memory_space<vmem>>, vector<1x16xf32>,
        %get3A_513 = vector.shape_cast %get3A_512 : vector<1x16xf32> to vector<16xf32>
        %add3A_514 = arith.addf %add3A_502, %get3A_513 : vector<16xf32>
        %get3A_515 = arith.index_cast %scan3A_509 : i32 to index
        %get3A_516 = arith.constant 16 : index
        %get3A_517 = tpu.vector_load %arg7[%get3A_515, %get3A_516] {strides = array<i32>} : memref<200x32xf32, #tpu.memory_space<vmem>>, vector<1x16xf32>,
        %get3A_518 = vector.shape_cast %get3A_517 : vector<1x16xf32> to vector<16xf32>
        %add3A_519 = arith.addf %add3A_507, %get3A_518 : vector<16xf32>
        %scan3A_520 = arith.constant 2 : i32
        %scan3A_521 = arith.addi %scan3A_496, %scan3A_520 : i32
        %get3A_522 = arith.index_cast %scan3A_521 : i32 to index
        %get3A_523 = arith.constant 0 : index
        %get3A_524 = tpu.vector_load %arg7[%get3A_522, %get3A_523] {strides = array<i32>} : memref<200x32xf32, #tpu.memory_space<vmem>>, vector<1x16xf32>,
        %get3A_525 = vector.shape_cast %get3A_524 : vector<1x16xf32> to vector<16xf32>
        %add3A_526 = arith.addf %add3A_514, %get3A_525 : vector<16xf32>
        %get3A_527 = arith.index_cast %scan3A_521 : i32 to index
        %get3A_528 = arith.constant 16 : index
        %get3A_529 = tpu.vector_load %arg7[%get3A_527, %get3A_528] {strides = array<i32>} : memref<200x32xf32, #tpu.memory_space<vmem>>, vector<1x16xf32>,
        %get3A_530 = vector.shape_cast %get3A_529 : vector<1x16xf32> to vector<16xf32>
        %add3A_531 = arith.addf %add3A_519, %get3A_530 : vector<16xf32>
        %scan3A_532 = arith.constant 3 : i32
        %scan3A_533 = arith.addi %scan3A_496, %scan3A_532 : i32
        %get3A_534 = arith.index_cast %scan3A_533 : i32 to index
        %get3A_535 = arith.constant 0 : index
        %get3A_536 = tpu.vector_load %arg7[%get3A_534, %get3A_535] {strides = array<i32>} : memref<200x32xf32, #tpu.memory_space<vmem>>, vector<1x16xf32>,
        %get3A_537 = vector.shape_cast %get3A_536 : vector<1x16xf32> to vector<16xf32>
        %add3A_538 = arith.addf %add3A_526, %get3A_537 : vector<16xf32>
        %get3A_539 = arith.index_cast %scan3A_533 : i32 to index
        %get3A_540 = arith.constant 16 : index
        %get3A_541 = tpu.vector_load %arg7[%get3A_539, %get3A_540] {strides = array<i32>} : memref<200x32xf32, #tpu.memory_space<vmem>>, vector<1x16xf32>,
        %get3A_542 = vector.shape_cast %get3A_541 : vector<1x16xf32> to vector<16xf32>
        %add3A_543 = arith.addf %add3A_531, %get3A_542 : vector<16xf32>
        %scan3A_544 = arith.constant 4 : i32
        %scan3A_545 = arith.addi %scan3A_496, %scan3A_544 : i32
        %get3A_546 = arith.index_cast %scan3A_545 : i32 to index
        %get3A_547 = arith.constant 0 : index
        %get3A_548 = tpu.vector_load %arg7[%get3A_546, %get3A_547] {strides = array<i32>} : memref<200x32xf32, #tpu.memory_space<vmem>>, vector<1x16xf32>,
        %get3A_549 = vector.shape_cast %get3A_548 : vector<1x16xf32> to vector<16xf32>
        %add3A_550 = arith.addf %add3A_538, %get3A_549 : vector<16xf32>
        %get3A_551 = arith.index_cast %scan3A_545 : i32 to index
        %get3A_552 = arith.constant 16 : index
        %get3A_553 = tpu.vector_load %arg7[%get3A_551, %get3A_552] {strides = array<i32>} : memref<200x32xf32, #tpu.memory_space<vmem>>, vector<1x16xf32>,
        %get3A_554 = vector.shape_cast %get3A_553 : vector<1x16xf32> to vector<16xf32>
        %add3A_555 = arith.addf %add3A_543, %get3A_554 : vector<16xf32>
        %scan3A_556 = arith.constant 5 : i32
        %scan3A_557 = arith.addi %scan3A_496, %scan3A_556 : i32
        %get3A_558 = arith.index_cast %scan3A_557 : i32 to index
        %get3A_559 = arith.constant 0 : index
        %get3A_560 = tpu.vector_load %arg7[%get3A_558, %get3A_559] {strides = array<i32>} : memref<200x32xf32, #tpu.memory_space<vmem>>, vector<1x16xf32>,
        %get3A_561 = vector.shape_cast %get3A_560 : vector<1x16xf32> to vector<16xf32>
        %add3A_562 = arith.addf %add3A_550, %get3A_561 : vector<16xf32>
        %get3A_563 = arith.index_cast %scan3A_557 : i32 to index
        %get3A_564 = arith.constant 16 : index
        %get3A_565 = tpu.vector_load %arg7[%get3A_563, %get3A_564] {strides = array<i32>} : memref<200x32xf32, #tpu.memory_space<vmem>>, vector<1x16xf32>,
        %get3A_566 = vector.shape_cast %get3A_565 : vector<1x16xf32> to vector<16xf32>
        %add3A_567 = arith.addf %add3A_555, %get3A_566 : vector<16xf32>
        %scan3A_568 = arith.constant 6 : i32
        %scan3A_569 = arith.addi %scan3A_496, %scan3A_568 : i32
        %get3A_570 = arith.index_cast %scan3A_569 : i32 to index
        %get3A_571 = arith.constant 0 : index
        %get3A_572 = tpu.vector_load %arg7[%get3A_570, %get3A_571] {strides = array<i32>} : memref<200x32xf32, #tpu.memory_space<vmem>>, vector<1x16xf32>,
        %get3A_573 = vector.shape_cast %get3A_572 : vector<1x16xf32> to vector<16xf32>
        %add3A_574 = arith.addf %add3A_562, %get3A_573 : vector<16xf32>
        %get3A_575 = arith.index_cast %scan3A_569 : i32 to index
        %get3A_576 = arith.constant 16 : index
        %get3A_577 = tpu.vector_load %arg7[%get3A_575, %get3A_576] {strides = array<i32>} : memref<200x32xf32, #tpu.memory_space<vmem>>, vector<1x16xf32>,
        %get3A_578 = vector.shape_cast %get3A_577 : vector<1x16xf32> to vector<16xf32>
        %add3A_579 = arith.addf %add3A_567, %get3A_578 : vector<16xf32>
        %scan3A_580 = arith.constant 7 : i32
        %scan3A_581 = arith.addi %scan3A_496, %scan3A_580 : i32
        %get3A_582 = arith.index_cast %scan3A_581 : i32 to index
        %get3A_583 = arith.constant 0 : index
        %get3A_584 = tpu.vector_load %arg7[%get3A_582, %get3A_583] {strides = array<i32>} : memref<200x32xf32, #tpu.memory_space<vmem>>, vector<1x16xf32>,
        %get3A_585 = vector.shape_cast %get3A_584 : vector<1x16xf32> to vector<16xf32>
        %add3A_586 = arith.addf %add3A_574, %get3A_585 : vector<16xf32>
        %get3A_587 = arith.index_cast %scan3A_581 : i32 to index
        %get3A_588 = arith.constant 16 : index
        %get3A_589 = tpu.vector_load %arg7[%get3A_587, %get3A_588] {strides = array<i32>} : memref<200x32xf32, #tpu.memory_space<vmem>>, vector<1x16xf32>,
        %get3A_590 = vector.shape_cast %get3A_589 : vector<1x16xf32> to vector<16xf32>
        %add3A_591 = arith.addf %add3A_579, %get3A_590 : vector<16xf32>
        scf.yield %add3A_586, %add3A_591 : vector<16xf32>, vector<16xf32>
      }
      %scan3A_167 = arith.constant 200 : i32
      %swap3A = arith.index_cast %add3A_142 : i32 to index
      %swap3A_168 = arith.constant 0 : index
      %swap3A_169 = tpu.vector_load %arg6[%swap3A, %swap3A_168] {strides = array<i32>} : memref<128x32xf32, #tpu.memory_space<vmem>>, vector<1x16xf32>,
      %swap3A_170 = vector.shape_cast %swap3A_169 : vector<1x16xf32> to vector<16xf32>
      %swap3A_171 = vector.shape_cast %scan3A_166#0 : vector<16xf32> to vector<1x16xf32>
      tpu.vector_store %arg6[%swap3A, %swap3A_168], %swap3A_171 {strides = array<i32>} : memref<128x32xf32, #tpu.memory_space<vmem>>, vector<1x16xf32>,
      %swap3A_172 = arith.index_cast %add3A_142 : i32 to index
      %swap3A_173 = arith.constant 16 : index
      %swap3A_174 = tpu.vector_load %arg6[%swap3A_172, %swap3A_173] {strides = array<i32>} : memref<128x32xf32, #tpu.memory_space<vmem>>, vector<1x16xf32>,
      %swap3A_175 = vector.shape_cast %swap3A_174 : vector<1x16xf32> to vector<16xf32>
      %swap3A_176 = vector.shape_cast %scan3A_166#1 : vector<16xf32> to vector<1x16xf32>
      tpu.vector_store %arg6[%swap3A_172, %swap3A_173], %swap3A_176 {strides = array<i32>} : memref<128x32xf32, #tpu.memory_space<vmem>>, vector<1x16xf32>,
      %add3A_177 = arith.constant 8 : i32
      %add3A_178 = arith.addi %add3A_142, %add3A_177 : i32
      %lt3A = arith.constant 128 : i32
      %lt3A_179 = arith.cmpi slt, %add3A_178, %lt3A : i32
      %convert_element_type3A = arith.extui %lt3A_179 : i1 to i32
      %cond3A = arith.constant 0 : i32
      %cond3A_180 = arith.cmpi ne, %convert_element_type3A, %cond3A : i32
      scf.if %cond3A_180 {
        %add3A_496 = arith.constant 8 : i32
        %add3A_497 = arith.addi %add3A_142, %add3A_496 : i32
        %mul3A_498 = arith.constant 200 : i32
        %mul3A_499 = arith.muli %add3A_497, %mul3A_498 : i32
        %dma_start3A_500 = arith.constant 0 : i32
        %dma_start3A_501 = arith.constant 0 : i32
        %dma_start3A_502 = tpu.memref_slice %arg7[%dma_start3A_500, %dma_start3A_501] : memref<200x32xf32, #tpu.memory_space<vmem>> -> memref<128x32xf32, #tpu.memory_space<vmem>>
        %dma_start3A_503 = tpu.memref_slice %arg5[%mul3A_499] : memref<25600xi32, #tpu.memory_space<vmem>> -> memref<128xi32, #tpu.memory_space<vmem>>
        %dma_start3A_504 = arith.constant 0 : i32
        %dma_start3A_505 = arith.constant 0 : i32
        %dma_start3A_506 = tpu.memref_slice %arg3[%dma_start3A_504, %dma_start3A_505] : memref<1000000x32xf32, #tpu.memory_space<hbm>> -> memref<1000000x32xf32, #tpu.memory_space<hbm>>
        tpu.enqueue_indirect_dma source(%dma_start3A_506 : memref<1000000x32xf32, #tpu.memory_space<hbm>>) target(%dma_start3A_502 : memref<128x32xf32, #tpu.memory_space<vmem>>) offsets(%dma_start3A_503 : memref<128xi32, #tpu.memory_space<vmem>>) semaphore(%arg15 : memref<!tpu.dma_semaphore, #tpu.memory_space<semaphore_mem>>)
        %mul3A_507 = arith.constant 200 : i32
        %mul3A_508 = arith.muli %add3A_497, %mul3A_507 : i32
        %add3A_509 = arith.constant 128 : i32
        %add3A_510 = arith.addi %mul3A_508, %add3A_509 : i32
        %dma_start3A_511 = arith.constant 128 : i32
        %dma_start3A_512 = arith.constant 0 : i32
        %dma_start3A_513 = tpu.memref_slice %arg7[%dma_start3A_511, %dma_start3A_512] : memref<200x32xf32, #tpu.memory_space<vmem>> -> memref<72x32xf32, #tpu.memory_space<vmem>>
        %dma_start3A_514 = tpu.memref_slice %arg5[%add3A_510] : memref<25600xi32, #tpu.memory_space<vmem>> -> memref<72xi32, #tpu.memory_space<vmem>>
        %dma_start3A_515 = arith.constant 0 : i32
        %dma_start3A_516 = arith.constant 0 : i32
        %dma_start3A_517 = tpu.memref_slice %arg3[%dma_start3A_515, %dma_start3A_516] : memref<1000000x32xf32, #tpu.memory_space<hbm>> -> memref<1000000x32xf32, #tpu.memory_space<hbm>>
        tpu.enqueue_indirect_dma source(%dma_start3A_517 : memref<1000000x32xf32, #tpu.memory_space<hbm>>) target(%dma_start3A_513 : memref<72x32xf32, #tpu.memory_space<vmem>>) offsets(%dma_start3A_514 : memref<72xi32, #tpu.memory_space<vmem>>) semaphore(%arg15 : memref<!tpu.dma_semaphore, #tpu.memory_space<semaphore_mem>>)
      } else {
      }
      %add3A_181 = arith.constant 1 : i32
      %add3A_182 = arith.addi %mul3A_140, %add3A_181 : i32
      %mul3A_183 = arith.constant 200 : i32
      %mul3A_184 = arith.muli %add3A_182, %mul3A_183 : i32
      %dma_wait3A_185 = arith.constant 0 : i32
      %dma_wait3A_186 = arith.constant 0 : i32
      %dma_wait3A_187 = tpu.memref_slice %arg8[%dma_wait3A_185, %dma_wait3A_186] : memref<200x32xf32, #tpu.memory_space<vmem>> -> memref<128x32xf32, #tpu.memory_space<vmem>>
      %dma_wait3A_188 = tpu.memref_slice %arg5[%mul3A_184] : memref<25600xi32, #tpu.memory_space<vmem>> -> memref<128xi32, #tpu.memory_space<vmem>>
      %dma_wait3A_189 = arith.constant 0 : i32
      %dma_wait3A_190 = arith.constant 0 : i32
      %dma_wait3A_191 = tpu.memref_slice %arg3[%dma_wait3A_189, %dma_wait3A_190] : memref<1000000x32xf32, #tpu.memory_space<hbm>> -> memref<1000000x32xf32, #tpu.memory_space<hbm>>
      tpu.wait_indirect_dma semaphore(%arg16 : memref<!tpu.dma_semaphore, #tpu.memory_space<semaphore_mem>>) src(%dma_wait3A_191 : memref<1000000x32xf32, #tpu.memory_space<hbm>>) dst(%dma_wait3A_187 : memref<128x32xf32, #tpu.memory_space<vmem>>)
      %mul3A_192 = arith.constant 200 : i32
      %mul3A_193 = arith.muli %add3A_182, %mul3A_192 : i32
      %add3A_194 = arith.constant 128 : i32
      %add3A_195 = arith.addi %mul3A_193, %add3A_194 : i32
      %dma_wait3A_196 = arith.constant 128 : i32
      %dma_wait3A_197 = arith.constant 0 : i32
      %dma_wait3A_198 = tpu.memref_slice %arg8[%dma_wait3A_196, %dma_wait3A_197] : memref<200x32xf32, #tpu.memory_space<vmem>> -> memref<72x32xf32, #tpu.memory_space<vmem>>
      %dma_wait3A_199 = tpu.memref_slice %arg5[%add3A_195] : memref<25600xi32, #tpu.memory_space<vmem>> -> memref<72xi32, #tpu.memory_space<vmem>>
      %dma_wait3A_200 = arith.constant 0 : i32
      %dma_wait3A_201 = arith.constant 0 : i32
      %dma_wait3A_202 = tpu.memref_slice %arg3[%dma_wait3A_200, %dma_wait3A_201] : memref<1000000x32xf32, #tpu.memory_space<hbm>> -> memref<1000000x32xf32, #tpu.memory_space<hbm>>
      tpu.wait_indirect_dma semaphore(%arg16 : memref<!tpu.dma_semaphore, #tpu.memory_space<semaphore_mem>>) src(%dma_wait3A_202 : memref<1000000x32xf32, #tpu.memory_space<hbm>>) dst(%dma_wait3A_198 : memref<72x32xf32, #tpu.memory_space<vmem>>)
      %scan3A_203 = arith.constant 0 : i32
      %scan3A_204 = arith.constant 200 : i32
      %scan3A_205 = arith.addi %scan3A_203, %scan3A_204 : i32
      %scan3A_206 = arith.constant 8 : i32
      %scan3A_207:2 = scf.for %scan3A_496 = %scan3A_203 to %scan3A_205 step %scan3A_206 iter_args(%scan3A_497 = %broadcast_in_dim3A_132, %scan3A_498 = %broadcast_in_dim3A_132) -> (vector<16xf32>, vector<16xf32>)  : i32 {
        %get3A = arith.index_cast %scan3A_496 : i32 to index
        %get3A_499 = arith.constant 0 : index
        %get3A_500 = tpu.vector_load %arg8[%get3A, %get3A_499] {strides = array<i32>} : memref<200x32xf32, #tpu.memory_space<vmem>>, vector<1x16xf32>,
        %get3A_501 = vector.shape_cast %get3A_500 : vector<1x16xf32> to vector<16xf32>
        %add3A_502 = arith.addf %scan3A_497, %get3A_501 : vector<16xf32>
        %get3A_503 = arith.index_cast %scan3A_496 : i32 to index
        %get3A_504 = arith.constant 16 : index
        %get3A_505 = tpu.vector_load %arg8[%get3A_503, %get3A_504] {strides = array<i32>} : memref<200x32xf32, #tpu.memory_space<vmem>>, vector<1x16xf32>,
        %get3A_506 = vector.shape_cast %get3A_505 : vector<1x16xf32> to vector<16xf32>
        %add3A_507 = arith.addf %scan3A_498, %get3A_506 : vector<16xf32>
        %scan3A_508 = arith.constant 1 : i32
        %scan3A_509 = arith.addi %scan3A_496, %scan3A_508 : i32
        %get3A_510 = arith.index_cast %scan3A_509 : i32 to index
        %get3A_511 = arith.constant 0 : index
        %get3A_512 = tpu.vector_load %arg8[%get3A_510, %get3A_511] {strides = array<i32>} : memref<200x32xf32, #tpu.memory_space<vmem>>, vector<1x16xf32>,
        %get3A_513 = vector.shape_cast %get3A_512 : vector<1x16xf32> to vector<16xf32>
        %add3A_514 = arith.addf %add3A_502, %get3A_513 : vector<16xf32>
        %get3A_515 = arith.index_cast %scan3A_509 : i32 to index
        %get3A_516 = arith.constant 16 : index
        %get3A_517 = tpu.vector_load %arg8[%get3A_515, %get3A_516] {strides = array<i32>} : memref<200x32xf32, #tpu.memory_space<vmem>>, vector<1x16xf32>,
        %get3A_518 = vector.shape_cast %get3A_517 : vector<1x16xf32> to vector<16xf32>
        %add3A_519 = arith.addf %add3A_507, %get3A_518 : vector<16xf32>
        %scan3A_520 = arith.constant 2 : i32
        %scan3A_521 = arith.addi %scan3A_496, %scan3A_520 : i32
        %get3A_522 = arith.index_cast %scan3A_521 : i32 to index
        %get3A_523 = arith.constant 0 : index
        %get3A_524 = tpu.vector_load %arg8[%get3A_522, %get3A_523] {strides = array<i32>} : memref<200x32xf32, #tpu.memory_space<vmem>>, vector<1x16xf32>,
        %get3A_525 = vector.shape_cast %get3A_524 : vector<1x16xf32> to vector<16xf32>
        %add3A_526 = arith.addf %add3A_514, %get3A_525 : vector<16xf32>
        %get3A_527 = arith.index_cast %scan3A_521 : i32 to index
        %get3A_528 = arith.constant 16 : index
        %get3A_529 = tpu.vector_load %arg8[%get3A_527, %get3A_528] {strides = array<i32>} : memref<200x32xf32, #tpu.memory_space<vmem>>, vector<1x16xf32>,
        %get3A_530 = vector.shape_cast %get3A_529 : vector<1x16xf32> to vector<16xf32>
        %add3A_531 = arith.addf %add3A_519, %get3A_530 : vector<16xf32>
        %scan3A_532 = arith.constant 3 : i32
        %scan3A_533 = arith.addi %scan3A_496, %scan3A_532 : i32
        %get3A_534 = arith.index_cast %scan3A_533 : i32 to index
        %get3A_535 = arith.constant 0 : index
        %get3A_536 = tpu.vector_load %arg8[%get3A_534, %get3A_535] {strides = array<i32>} : memref<200x32xf32, #tpu.memory_space<vmem>>, vector<1x16xf32>,
        %get3A_537 = vector.shape_cast %get3A_536 : vector<1x16xf32> to vector<16xf32>
        %add3A_538 = arith.addf %add3A_526, %get3A_537 : vector<16xf32>
        %get3A_539 = arith.index_cast %scan3A_533 : i32 to index
        %get3A_540 = arith.constant 16 : index
        %get3A_541 = tpu.vector_load %arg8[%get3A_539, %get3A_540] {strides = array<i32>} : memref<200x32xf32, #tpu.memory_space<vmem>>, vector<1x16xf32>,
        %get3A_542 = vector.shape_cast %get3A_541 : vector<1x16xf32> to vector<16xf32>
        %add3A_543 = arith.addf %add3A_531, %get3A_542 : vector<16xf32>
        %scan3A_544 = arith.constant 4 : i32
        %scan3A_545 = arith.addi %scan3A_496, %scan3A_544 : i32
        %get3A_546 = arith.index_cast %scan3A_545 : i32 to index
        %get3A_547 = arith.constant 0 : index
        %get3A_548 = tpu.vector_load %arg8[%get3A_546, %get3A_547] {strides = array<i32>} : memref<200x32xf32, #tpu.memory_space<vmem>>, vector<1x16xf32>,
        %get3A_549 = vector.shape_cast %get3A_548 : vector<1x16xf32> to vector<16xf32>
        %add3A_550 = arith.addf %add3A_538, %get3A_549 : vector<16xf32>
        %get3A_551 = arith.index_cast %scan3A_545 : i32 to index
        %get3A_552 = arith.constant 16 : index
        %get3A_553 = tpu.vector_load %arg8[%get3A_551, %get3A_552] {strides = array<i32>} : memref<200x32xf32, #tpu.memory_space<vmem>>, vector<1x16xf32>,
        %get3A_554 = vector.shape_cast %get3A_553 : vector<1x16xf32> to vector<16xf32>
        %add3A_555 = arith.addf %add3A_543, %get3A_554 : vector<16xf32>
        %scan3A_556 = arith.constant 5 : i32
        %scan3A_557 = arith.addi %scan3A_496, %scan3A_556 : i32
        %get3A_558 = arith.index_cast %scan3A_557 : i32 to index
        %get3A_559 = arith.constant 0 : index
        %get3A_560 = tpu.vector_load %arg8[%get3A_558, %get3A_559] {strides = array<i32>} : memref<200x32xf32, #tpu.memory_space<vmem>>, vector<1x16xf32>,
        %get3A_561 = vector.shape_cast %get3A_560 : vector<1x16xf32> to vector<16xf32>
        %add3A_562 = arith.addf %add3A_550, %get3A_561 : vector<16xf32>
        %get3A_563 = arith.index_cast %scan3A_557 : i32 to index
        %get3A_564 = arith.constant 16 : index
        %get3A_565 = tpu.vector_load %arg8[%get3A_563, %get3A_564] {strides = array<i32>} : memref<200x32xf32, #tpu.memory_space<vmem>>, vector<1x16xf32>,
        %get3A_566 = vector.shape_cast %get3A_565 : vector<1x16xf32> to vector<16xf32>
        %add3A_567 = arith.addf %add3A_555, %get3A_566 : vector<16xf32>
        %scan3A_568 = arith.constant 6 : i32
        %scan3A_569 = arith.addi %scan3A_496, %scan3A_568 : i32
        %get3A_570 = arith.index_cast %scan3A_569 : i32 to index
        %get3A_571 = arith.constant 0 : index
        %get3A_572 = tpu.vector_load %arg8[%get3A_570, %get3A_571] {strides = array<i32>} : memref<200x32xf32, #tpu.memory_space<vmem>>, vector<1x16xf32>,
        %get3A_573 = vector.shape_cast %get3A_572 : vector<1x16xf32> to vector<16xf32>
        %add3A_574 = arith.addf %add3A_562, %get3A_573 : vector<16xf32>
        %get3A_575 = arith.index_cast %scan3A_569 : i32 to index
        %get3A_576 = arith.constant 16 : index
        %get3A_577 = tpu.vector_load %arg8[%get3A_575, %get3A_576] {strides = array<i32>} : memref<200x32xf32, #tpu.memory_space<vmem>>, vector<1x16xf32>,
        %get3A_578 = vector.shape_cast %get3A_577 : vector<1x16xf32> to vector<16xf32>
        %add3A_579 = arith.addf %add3A_567, %get3A_578 : vector<16xf32>
        %scan3A_580 = arith.constant 7 : i32
        %scan3A_581 = arith.addi %scan3A_496, %scan3A_580 : i32
        %get3A_582 = arith.index_cast %scan3A_581 : i32 to index
        %get3A_583 = arith.constant 0 : index
        %get3A_584 = tpu.vector_load %arg8[%get3A_582, %get3A_583] {strides = array<i32>} : memref<200x32xf32, #tpu.memory_space<vmem>>, vector<1x16xf32>,
        %get3A_585 = vector.shape_cast %get3A_584 : vector<1x16xf32> to vector<16xf32>
        %add3A_586 = arith.addf %add3A_574, %get3A_585 : vector<16xf32>
        %get3A_587 = arith.index_cast %scan3A_581 : i32 to index
        %get3A_588 = arith.constant 16 : index
        %get3A_589 = tpu.vector_load %arg8[%get3A_587, %get3A_588] {strides = array<i32>} : memref<200x32xf32, #tpu.memory_space<vmem>>, vector<1x16xf32>,
        %get3A_590 = vector.shape_cast %get3A_589 : vector<1x16xf32> to vector<16xf32>
        %add3A_591 = arith.addf %add3A_579, %get3A_590 : vector<16xf32>
        scf.yield %add3A_586, %add3A_591 : vector<16xf32>, vector<16xf32>
      }
      %scan3A_208 = arith.constant 200 : i32
      %swap3A_209 = arith.index_cast %add3A_182 : i32 to index
      %swap3A_210 = arith.constant 0 : index
      %swap3A_211 = tpu.vector_load %arg6[%swap3A_209, %swap3A_210] {strides = array<i32>} : memref<128x32xf32, #tpu.memory_space<vmem>>, vector<1x16xf32>,
      %swap3A_212 = vector.shape_cast %swap3A_211 : vector<1x16xf32> to vector<16xf32>
      %swap3A_213 = vector.shape_cast %scan3A_207#0 : vector<16xf32> to vector<1x16xf32>
      tpu.vector_store %arg6[%swap3A_209, %swap3A_210], %swap3A_213 {strides = array<i32>} : memref<128x32xf32, #tpu.memory_space<vmem>>, vector<1x16xf32>,
      %swap3A_214 = arith.index_cast %add3A_182 : i32 to index
      %swap3A_215 = arith.constant 16 : index
      %swap3A_216 = tpu.vector_load %arg6[%swap3A_214, %swap3A_215] {strides = array<i32>} : memref<128x32xf32, #tpu.memory_space<vmem>>, vector<1x16xf32>,
      %swap3A_217 = vector.shape_cast %swap3A_216 : vector<1x16xf32> to vector<16xf32>
      %swap3A_218 = vector.shape_cast %scan3A_207#1 : vector<16xf32> to vector<1x16xf32>
      tpu.vector_store %arg6[%swap3A_214, %swap3A_215], %swap3A_218 {strides = array<i32>} : memref<128x32xf32, #tpu.memory_space<vmem>>, vector<1x16xf32>,
      %add3A_219 = arith.constant 8 : i32
      %add3A_220 = arith.addi %add3A_182, %add3A_219 : i32
      %lt3A_221 = arith.constant 128 : i32
      %lt3A_222 = arith.cmpi slt, %add3A_220, %lt3A_221 : i32
      %convert_element_type3A_223 = arith.extui %lt3A_222 : i1 to i32
      %cond3A_224 = arith.constant 0 : i32
      %cond3A_225 = arith.cmpi ne, %convert_element_type3A_223, %cond3A_224 : i32
      scf.if %cond3A_225 {
        %add3A_496 = arith.constant 8 : i32
        %add3A_497 = arith.addi %add3A_182, %add3A_496 : i32
        %mul3A_498 = arith.constant 200 : i32
        %mul3A_499 = arith.muli %add3A_497, %mul3A_498 : i32
        %dma_start3A_500 = arith.constant 0 : i32
        %dma_start3A_501 = arith.constant 0 : i32
        %dma_start3A_502 = tpu.memref_slice %arg8[%dma_start3A_500, %dma_start3A_501] : memref<200x32xf32, #tpu.memory_space<vmem>> -> memref<128x32xf32, #tpu.memory_space<vmem>>
        %dma_start3A_503 = tpu.memref_slice %arg5[%mul3A_499] : memref<25600xi32, #tpu.memory_space<vmem>> -> memref<128xi32, #tpu.memory_space<vmem>>
        %dma_start3A_504 = arith.constant 0 : i32
        %dma_start3A_505 = arith.constant 0 : i32
        %dma_start3A_506 = tpu.memref_slice %arg3[%dma_start3A_504, %dma_start3A_505] : memref<1000000x32xf32, #tpu.memory_space<hbm>> -> memref<1000000x32xf32, #tpu.memory_space<hbm>>
        tpu.enqueue_indirect_dma source(%dma_start3A_506 : memref<1000000x32xf32, #tpu.memory_space<hbm>>) target(%dma_start3A_502 : memref<128x32xf32, #tpu.memory_space<vmem>>) offsets(%dma_start3A_503 : memref<128xi32, #tpu.memory_space<vmem>>) semaphore(%arg16 : memref<!tpu.dma_semaphore, #tpu.memory_space<semaphore_mem>>)
        %mul3A_507 = arith.constant 200 : i32
        %mul3A_508 = arith.muli %add3A_497, %mul3A_507 : i32
        %add3A_509 = arith.constant 128 : i32
        %add3A_510 = arith.addi %mul3A_508, %add3A_509 : i32
        %dma_start3A_511 = arith.constant 128 : i32
        %dma_start3A_512 = arith.constant 0 : i32
        %dma_start3A_513 = tpu.memref_slice %arg8[%dma_start3A_511, %dma_start3A_512] : memref<200x32xf32, #tpu.memory_space<vmem>> -> memref<72x32xf32, #tpu.memory_space<vmem>>
        %dma_start3A_514 = tpu.memref_slice %arg5[%add3A_510] : memref<25600xi32, #tpu.memory_space<vmem>> -> memref<72xi32, #tpu.memory_space<vmem>>
        %dma_start3A_515 = arith.constant 0 : i32
        %dma_start3A_516 = arith.constant 0 : i32
        %dma_start3A_517 = tpu.memref_slice %arg3[%dma_start3A_515, %dma_start3A_516] : memref<1000000x32xf32, #tpu.memory_space<hbm>> -> memref<1000000x32xf32, #tpu.memory_space<hbm>>
        tpu.enqueue_indirect_dma source(%dma_start3A_517 : memref<1000000x32xf32, #tpu.memory_space<hbm>>) target(%dma_start3A_513 : memref<72x32xf32, #tpu.memory_space<vmem>>) offsets(%dma_start3A_514 : memref<72xi32, #tpu.memory_space<vmem>>) semaphore(%arg16 : memref<!tpu.dma_semaphore, #tpu.memory_space<semaphore_mem>>)
      } else {
      }
      %add3A_226 = arith.constant 2 : i32
      %add3A_227 = arith.addi %mul3A_140, %add3A_226 : i32
      %mul3A_228 = arith.constant 200 : i32
      %mul3A_229 = arith.muli %add3A_227, %mul3A_228 : i32
      %dma_wait3A_230 = arith.constant 0 : i32
      %dma_wait3A_231 = arith.constant 0 : i32
      %dma_wait3A_232 = tpu.memref_slice %arg9[%dma_wait3A_230, %dma_wait3A_231] : memref<200x32xf32, #tpu.memory_space<vmem>> -> memref<128x32xf32, #tpu.memory_space<vmem>>
      %dma_wait3A_233 = tpu.memref_slice %arg5[%mul3A_229] : memref<25600xi32, #tpu.memory_space<vmem>> -> memref<128xi32, #tpu.memory_space<vmem>>
      %dma_wait3A_234 = arith.constant 0 : i32
      %dma_wait3A_235 = arith.constant 0 : i32
      %dma_wait3A_236 = tpu.memref_slice %arg3[%dma_wait3A_234, %dma_wait3A_235] : memref<1000000x32xf32, #tpu.memory_space<hbm>> -> memref<1000000x32xf32, #tpu.memory_space<hbm>>
      tpu.wait_indirect_dma semaphore(%arg17 : memref<!tpu.dma_semaphore, #tpu.memory_space<semaphore_mem>>) src(%dma_wait3A_236 : memref<1000000x32xf32, #tpu.memory_space<hbm>>) dst(%dma_wait3A_232 : memref<128x32xf32, #tpu.memory_space<vmem>>)
      %mul3A_237 = arith.constant 200 : i32
      %mul3A_238 = arith.muli %add3A_227, %mul3A_237 : i32
      %add3A_239 = arith.constant 128 : i32
      %add3A_240 = arith.addi %mul3A_238, %add3A_239 : i32
      %dma_wait3A_241 = arith.constant 128 : i32
      %dma_wait3A_242 = arith.constant 0 : i32
      %dma_wait3A_243 = tpu.memref_slice %arg9[%dma_wait3A_241, %dma_wait3A_242] : memref<200x32xf32, #tpu.memory_space<vmem>> -> memref<72x32xf32, #tpu.memory_space<vmem>>
      %dma_wait3A_244 = tpu.memref_slice %arg5[%add3A_240] : memref<25600xi32, #tpu.memory_space<vmem>> -> memref<72xi32, #tpu.memory_space<vmem>>
      %dma_wait3A_245 = arith.constant 0 : i32
      %dma_wait3A_246 = arith.constant 0 : i32
      %dma_wait3A_247 = tpu.memref_slice %arg3[%dma_wait3A_245, %dma_wait3A_246] : memref<1000000x32xf32, #tpu.memory_space<hbm>> -> memref<1000000x32xf32, #tpu.memory_space<hbm>>
      tpu.wait_indirect_dma semaphore(%arg17 : memref<!tpu.dma_semaphore, #tpu.memory_space<semaphore_mem>>) src(%dma_wait3A_247 : memref<1000000x32xf32, #tpu.memory_space<hbm>>) dst(%dma_wait3A_243 : memref<72x32xf32, #tpu.memory_space<vmem>>)
      %scan3A_248 = arith.constant 0 : i32
      %scan3A_249 = arith.constant 200 : i32
      %scan3A_250 = arith.addi %scan3A_248, %scan3A_249 : i32
      %scan3A_251 = arith.constant 8 : i32
      %scan3A_252:2 = scf.for %scan3A_496 = %scan3A_248 to %scan3A_250 step %scan3A_251 iter_args(%scan3A_497 = %broadcast_in_dim3A_132, %scan3A_498 = %broadcast_in_dim3A_132) -> (vector<16xf32>, vector<16xf32>)  : i32 {
        %get3A = arith.index_cast %scan3A_496 : i32 to index
        %get3A_499 = arith.constant 0 : index
        %get3A_500 = tpu.vector_load %arg9[%get3A, %get3A_499] {strides = array<i32>} : memref<200x32xf32, #tpu.memory_space<vmem>>, vector<1x16xf32>,
        %get3A_501 = vector.shape_cast %get3A_500 : vector<1x16xf32> to vector<16xf32>
        %add3A_502 = arith.addf %scan3A_497, %get3A_501 : vector<16xf32>
        %get3A_503 = arith.index_cast %scan3A_496 : i32 to index
        %get3A_504 = arith.constant 16 : index
        %get3A_505 = tpu.vector_load %arg9[%get3A_503, %get3A_504] {strides = array<i32>} : memref<200x32xf32, #tpu.memory_space<vmem>>, vector<1x16xf32>,
        %get3A_506 = vector.shape_cast %get3A_505 : vector<1x16xf32> to vector<16xf32>
        %add3A_507 = arith.addf %scan3A_498, %get3A_506 : vector<16xf32>
        %scan3A_508 = arith.constant 1 : i32
        %scan3A_509 = arith.addi %scan3A_496, %scan3A_508 : i32
        %get3A_510 = arith.index_cast %scan3A_509 : i32 to index
        %get3A_511 = arith.constant 0 : index
        %get3A_512 = tpu.vector_load %arg9[%get3A_510, %get3A_511] {strides = array<i32>} : memref<200x32xf32, #tpu.memory_space<vmem>>, vector<1x16xf32>,
        %get3A_513 = vector.shape_cast %get3A_512 : vector<1x16xf32> to vector<16xf32>
        %add3A_514 = arith.addf %add3A_502, %get3A_513 : vector<16xf32>
        %get3A_515 = arith.index_cast %scan3A_509 : i32 to index
        %get3A_516 = arith.constant 16 : index
        %get3A_517 = tpu.vector_load %arg9[%get3A_515, %get3A_516] {strides = array<i32>} : memref<200x32xf32, #tpu.memory_space<vmem>>, vector<1x16xf32>,
        %get3A_518 = vector.shape_cast %get3A_517 : vector<1x16xf32> to vector<16xf32>
        %add3A_519 = arith.addf %add3A_507, %get3A_518 : vector<16xf32>
        %scan3A_520 = arith.constant 2 : i32
        %scan3A_521 = arith.addi %scan3A_496, %scan3A_520 : i32
        %get3A_522 = arith.index_cast %scan3A_521 : i32 to index
        %get3A_523 = arith.constant 0 : index
        %get3A_524 = tpu.vector_load %arg9[%get3A_522, %get3A_523] {strides = array<i32>} : memref<200x32xf32, #tpu.memory_space<vmem>>, vector<1x16xf32>,
        %get3A_525 = vector.shape_cast %get3A_524 : vector<1x16xf32> to vector<16xf32>
        %add3A_526 = arith.addf %add3A_514, %get3A_525 : vector<16xf32>
        %get3A_527 = arith.index_cast %scan3A_521 : i32 to index
        %get3A_528 = arith.constant 16 : index
        %get3A_529 = tpu.vector_load %arg9[%get3A_527, %get3A_528] {strides = array<i32>} : memref<200x32xf32, #tpu.memory_space<vmem>>, vector<1x16xf32>,
        %get3A_530 = vector.shape_cast %get3A_529 : vector<1x16xf32> to vector<16xf32>
        %add3A_531 = arith.addf %add3A_519, %get3A_530 : vector<16xf32>
        %scan3A_532 = arith.constant 3 : i32
        %scan3A_533 = arith.addi %scan3A_496, %scan3A_532 : i32
        %get3A_534 = arith.index_cast %scan3A_533 : i32 to index
        %get3A_535 = arith.constant 0 : index
        %get3A_536 = tpu.vector_load %arg9[%get3A_534, %get3A_535] {strides = array<i32>} : memref<200x32xf32, #tpu.memory_space<vmem>>, vector<1x16xf32>,
        %get3A_537 = vector.shape_cast %get3A_536 : vector<1x16xf32> to vector<16xf32>
        %add3A_538 = arith.addf %add3A_526, %get3A_537 : vector<16xf32>
        %get3A_539 = arith.index_cast %scan3A_533 : i32 to index
        %get3A_540 = arith.constant 16 : index
        %get3A_541 = tpu.vector_load %arg9[%get3A_539, %get3A_540] {strides = array<i32>} : memref<200x32xf32, #tpu.memory_space<vmem>>, vector<1x16xf32>,
        %get3A_542 = vector.shape_cast %get3A_541 : vector<1x16xf32> to vector<16xf32>
        %add3A_543 = arith.addf %add3A_531, %get3A_542 : vector<16xf32>
        %scan3A_544 = arith.constant 4 : i32
        %scan3A_545 = arith.addi %scan3A_496, %scan3A_544 : i32
        %get3A_546 = arith.index_cast %scan3A_545 : i32 to index
        %get3A_547 = arith.constant 0 : index
        %get3A_548 = tpu.vector_load %arg9[%get3A_546, %get3A_547] {strides = array<i32>} : memref<200x32xf32, #tpu.memory_space<vmem>>, vector<1x16xf32>,
        %get3A_549 = vector.shape_cast %get3A_548 : vector<1x16xf32> to vector<16xf32>
        %add3A_550 = arith.addf %add3A_538, %get3A_549 : vector<16xf32>
        %get3A_551 = arith.index_cast %scan3A_545 : i32 to index
        %get3A_552 = arith.constant 16 : index
        %get3A_553 = tpu.vector_load %arg9[%get3A_551, %get3A_552] {strides = array<i32>} : memref<200x32xf32, #tpu.memory_space<vmem>>, vector<1x16xf32>,
        %get3A_554 = vector.shape_cast %get3A_553 : vector<1x16xf32> to vector<16xf32>
        %add3A_555 = arith.addf %add3A_543, %get3A_554 : vector<16xf32>
        %scan3A_556 = arith.constant 5 : i32
        %scan3A_557 = arith.addi %scan3A_496, %scan3A_556 : i32
        %get3A_558 = arith.index_cast %scan3A_557 : i32 to index
        %get3A_559 = arith.constant 0 : index
        %get3A_560 = tpu.vector_load %arg9[%get3A_558, %get3A_559] {strides = array<i32>} : memref<200x32xf32, #tpu.memory_space<vmem>>, vector<1x16xf32>,
        %get3A_561 = vector.shape_cast %get3A_560 : vector<1x16xf32> to vector<16xf32>
        %add3A_562 = arith.addf %add3A_550, %get3A_561 : vector<16xf32>
        %get3A_563 = arith.index_cast %scan3A_557 : i32 to index
        %get3A_564 = arith.constant 16 : index
        %get3A_565 = tpu.vector_load %arg9[%get3A_563, %get3A_564] {strides = array<i32>} : memref<200x32xf32, #tpu.memory_space<vmem>>, vector<1x16xf32>,
        %get3A_566 = vector.shape_cast %get3A_565 : vector<1x16xf32> to vector<16xf32>
        %add3A_567 = arith.addf %add3A_555, %get3A_566 : vector<16xf32>
        %scan3A_568 = arith.constant 6 : i32
        %scan3A_569 = arith.addi %scan3A_496, %scan3A_568 : i32
        %get3A_570 = arith.index_cast %scan3A_569 : i32 to index
        %get3A_571 = arith.constant 0 : index
        %get3A_572 = tpu.vector_load %arg9[%get3A_570, %get3A_571] {strides = array<i32>} : memref<200x32xf32, #tpu.memory_space<vmem>>, vector<1x16xf32>,
        %get3A_573 = vector.shape_cast %get3A_572 : vector<1x16xf32> to vector<16xf32>
        %add3A_574 = arith.addf %add3A_562, %get3A_573 : vector<16xf32>
        %get3A_575 = arith.index_cast %scan3A_569 : i32 to index
        %get3A_576 = arith.constant 16 : index
        %get3A_577 = tpu.vector_load %arg9[%get3A_575, %get3A_576] {strides = array<i32>} : memref<200x32xf32, #tpu.memory_space<vmem>>, vector<1x16xf32>,
        %get3A_578 = vector.shape_cast %get3A_577 : vector<1x16xf32> to vector<16xf32>
        %add3A_579 = arith.addf %add3A_567, %get3A_578 : vector<16xf32>
        %scan3A_580 = arith.constant 7 : i32
        %scan3A_581 = arith.addi %scan3A_496, %scan3A_580 : i32
        %get3A_582 = arith.index_cast %scan3A_581 : i32 to index
        %get3A_583 = arith.constant 0 : index
        %get3A_584 = tpu.vector_load %arg9[%get3A_582, %get3A_583] {strides = array<i32>} : memref<200x32xf32, #tpu.memory_space<vmem>>, vector<1x16xf32>,
        %get3A_585 = vector.shape_cast %get3A_584 : vector<1x16xf32> to vector<16xf32>
        %add3A_586 = arith.addf %add3A_574, %get3A_585 : vector<16xf32>
        %get3A_587 = arith.index_cast %scan3A_581 : i32 to index
        %get3A_588 = arith.constant 16 : index
        %get3A_589 = tpu.vector_load %arg9[%get3A_587, %get3A_588] {strides = array<i32>} : memref<200x32xf32, #tpu.memory_space<vmem>>, vector<1x16xf32>,
        %get3A_590 = vector.shape_cast %get3A_589 : vector<1x16xf32> to vector<16xf32>
        %add3A_591 = arith.addf %add3A_579, %get3A_590 : vector<16xf32>
        scf.yield %add3A_586, %add3A_591 : vector<16xf32>, vector<16xf32>
      }
      %scan3A_253 = arith.constant 200 : i32
      %swap3A_254 = arith.index_cast %add3A_227 : i32 to index
      %swap3A_255 = arith.constant 0 : index
      %swap3A_256 = tpu.vector_load %arg6[%swap3A_254, %swap3A_255] {strides = array<i32>} : memref<128x32xf32, #tpu.memory_space<vmem>>, vector<1x16xf32>,
      %swap3A_257 = vector.shape_cast %swap3A_256 : vector<1x16xf32> to vector<16xf32>
      %swap3A_258 = vector.shape_cast %scan3A_252#0 : vector<16xf32> to vector<1x16xf32>
      tpu.vector_store %arg6[%swap3A_254, %swap3A_255], %swap3A_258 {strides = array<i32>} : memref<128x32xf32, #tpu.memory_space<vmem>>, vector<1x16xf32>,
      %swap3A_259 = arith.index_cast %add3A_227 : i32 to index
      %swap3A_260 = arith.constant 16 : index
      %swap3A_261 = tpu.vector_load %arg6[%swap3A_259, %swap3A_260] {strides = array<i32>} : memref<128x32xf32, #tpu.memory_space<vmem>>, vector<1x16xf32>,
      %swap3A_262 = vector.shape_cast %swap3A_261 : vector<1x16xf32> to vector<16xf32>
      %swap3A_263 = vector.shape_cast %scan3A_252#1 : vector<16xf32> to vector<1x16xf32>
      tpu.vector_store %arg6[%swap3A_259, %swap3A_260], %swap3A_263 {strides = array<i32>} : memref<128x32xf32, #tpu.memory_space<vmem>>, vector<1x16xf32>,
      %add3A_264 = arith.constant 8 : i32
      %add3A_265 = arith.addi %add3A_227, %add3A_264 : i32
      %lt3A_266 = arith.constant 128 : i32
      %lt3A_267 = arith.cmpi slt, %add3A_265, %lt3A_266 : i32
      %convert_element_type3A_268 = arith.extui %lt3A_267 : i1 to i32
      %cond3A_269 = arith.constant 0 : i32
      %cond3A_270 = arith.cmpi ne, %convert_element_type3A_268, %cond3A_269 : i32
      scf.if %cond3A_270 {
        %add3A_496 = arith.constant 8 : i32
        %add3A_497 = arith.addi %add3A_227, %add3A_496 : i32
        %mul3A_498 = arith.constant 200 : i32
        %mul3A_499 = arith.muli %add3A_497, %mul3A_498 : i32
        %dma_start3A_500 = arith.constant 0 : i32
        %dma_start3A_501 = arith.constant 0 : i32
        %dma_start3A_502 = tpu.memref_slice %arg9[%dma_start3A_500, %dma_start3A_501] : memref<200x32xf32, #tpu.memory_space<vmem>> -> memref<128x32xf32, #tpu.memory_space<vmem>>
        %dma_start3A_503 = tpu.memref_slice %arg5[%mul3A_499] : memref<25600xi32, #tpu.memory_space<vmem>> -> memref<128xi32, #tpu.memory_space<vmem>>
        %dma_start3A_504 = arith.constant 0 : i32
        %dma_start3A_505 = arith.constant 0 : i32
        %dma_start3A_506 = tpu.memref_slice %arg3[%dma_start3A_504, %dma_start3A_505] : memref<1000000x32xf32, #tpu.memory_space<hbm>> -> memref<1000000x32xf32, #tpu.memory_space<hbm>>
        tpu.enqueue_indirect_dma source(%dma_start3A_506 : memref<1000000x32xf32, #tpu.memory_space<hbm>>) target(%dma_start3A_502 : memref<128x32xf32, #tpu.memory_space<vmem>>) offsets(%dma_start3A_503 : memref<128xi32, #tpu.memory_space<vmem>>) semaphore(%arg17 : memref<!tpu.dma_semaphore, #tpu.memory_space<semaphore_mem>>)
        %mul3A_507 = arith.constant 200 : i32
        %mul3A_508 = arith.muli %add3A_497, %mul3A_507 : i32
        %add3A_509 = arith.constant 128 : i32
        %add3A_510 = arith.addi %mul3A_508, %add3A_509 : i32
        %dma_start3A_511 = arith.constant 128 : i32
        %dma_start3A_512 = arith.constant 0 : i32
        %dma_start3A_513 = tpu.memref_slice %arg9[%dma_start3A_511, %dma_start3A_512] : memref<200x32xf32, #tpu.memory_space<vmem>> -> memref<72x32xf32, #tpu.memory_space<vmem>>
        %dma_start3A_514 = tpu.memref_slice %arg5[%add3A_510] : memref<25600xi32, #tpu.memory_space<vmem>> -> memref<72xi32, #tpu.memory_space<vmem>>
        %dma_start3A_515 = arith.constant 0 : i32
        %dma_start3A_516 = arith.constant 0 : i32
        %dma_start3A_517 = tpu.memref_slice %arg3[%dma_start3A_515, %dma_start3A_516] : memref<1000000x32xf32, #tpu.memory_space<hbm>> -> memref<1000000x32xf32, #tpu.memory_space<hbm>>
        tpu.enqueue_indirect_dma source(%dma_start3A_517 : memref<1000000x32xf32, #tpu.memory_space<hbm>>) target(%dma_start3A_513 : memref<72x32xf32, #tpu.memory_space<vmem>>) offsets(%dma_start3A_514 : memref<72xi32, #tpu.memory_space<vmem>>) semaphore(%arg17 : memref<!tpu.dma_semaphore, #tpu.memory_space<semaphore_mem>>)
      } else {
      }
      %add3A_271 = arith.constant 3 : i32
      %add3A_272 = arith.addi %mul3A_140, %add3A_271 : i32
      %mul3A_273 = arith.constant 200 : i32
      %mul3A_274 = arith.muli %add3A_272, %mul3A_273 : i32
      %dma_wait3A_275 = arith.constant 0 : i32
      %dma_wait3A_276 = arith.constant 0 : i32
      %dma_wait3A_277 = tpu.memref_slice %arg10[%dma_wait3A_275, %dma_wait3A_276] : memref<200x32xf32, #tpu.memory_space<vmem>> -> memref<128x32xf32, #tpu.memory_space<vmem>>
      %dma_wait3A_278 = tpu.memref_slice %arg5[%mul3A_274] : memref<25600xi32, #tpu.memory_space<vmem>> -> memref<128xi32, #tpu.memory_space<vmem>>
      %dma_wait3A_279 = arith.constant 0 : i32
      %dma_wait3A_280 = arith.constant 0 : i32
      %dma_wait3A_281 = tpu.memref_slice %arg3[%dma_wait3A_279, %dma_wait3A_280] : memref<1000000x32xf32, #tpu.memory_space<hbm>> -> memref<1000000x32xf32, #tpu.memory_space<hbm>>
      tpu.wait_indirect_dma semaphore(%arg18 : memref<!tpu.dma_semaphore, #tpu.memory_space<semaphore_mem>>) src(%dma_wait3A_281 : memref<1000000x32xf32, #tpu.memory_space<hbm>>) dst(%dma_wait3A_277 : memref<128x32xf32, #tpu.memory_space<vmem>>)
      %mul3A_282 = arith.constant 200 : i32
      %mul3A_283 = arith.muli %add3A_272, %mul3A_282 : i32
      %add3A_284 = arith.constant 128 : i32
      %add3A_285 = arith.addi %mul3A_283, %add3A_284 : i32
      %dma_wait3A_286 = arith.constant 128 : i32
      %dma_wait3A_287 = arith.constant 0 : i32
      %dma_wait3A_288 = tpu.memref_slice %arg10[%dma_wait3A_286, %dma_wait3A_287] : memref<200x32xf32, #tpu.memory_space<vmem>> -> memref<72x32xf32, #tpu.memory_space<vmem>>
      %dma_wait3A_289 = tpu.memref_slice %arg5[%add3A_285] : memref<25600xi32, #tpu.memory_space<vmem>> -> memref<72xi32, #tpu.memory_space<vmem>>
      %dma_wait3A_290 = arith.constant 0 : i32
      %dma_wait3A_291 = arith.constant 0 : i32
      %dma_wait3A_292 = tpu.memref_slice %arg3[%dma_wait3A_290, %dma_wait3A_291] : memref<1000000x32xf32, #tpu.memory_space<hbm>> -> memref<1000000x32xf32, #tpu.memory_space<hbm>>
      tpu.wait_indirect_dma semaphore(%arg18 : memref<!tpu.dma_semaphore, #tpu.memory_space<semaphore_mem>>) src(%dma_wait3A_292 : memref<1000000x32xf32, #tpu.memory_space<hbm>>) dst(%dma_wait3A_288 : memref<72x32xf32, #tpu.memory_space<vmem>>)
      %scan3A_293 = arith.constant 0 : i32
      %scan3A_294 = arith.constant 200 : i32
      %scan3A_295 = arith.addi %scan3A_293, %scan3A_294 : i32
      %scan3A_296 = arith.constant 8 : i32
      %scan3A_297:2 = scf.for %scan3A_496 = %scan3A_293 to %scan3A_295 step %scan3A_296 iter_args(%scan3A_497 = %broadcast_in_dim3A_132, %scan3A_498 = %broadcast_in_dim3A_132) -> (vector<16xf32>, vector<16xf32>)  : i32 {
        %get3A = arith.index_cast %scan3A_496 : i32 to index
        %get3A_499 = arith.constant 0 : index
        %get3A_500 = tpu.vector_load %arg10[%get3A, %get3A_499] {strides = array<i32>} : memref<200x32xf32, #tpu.memory_space<vmem>>, vector<1x16xf32>,
        %get3A_501 = vector.shape_cast %get3A_500 : vector<1x16xf32> to vector<16xf32>
        %add3A_502 = arith.addf %scan3A_497, %get3A_501 : vector<16xf32>
        %get3A_503 = arith.index_cast %scan3A_496 : i32 to index
        %get3A_504 = arith.constant 16 : index
        %get3A_505 = tpu.vector_load %arg10[%get3A_503, %get3A_504] {strides = array<i32>} : memref<200x32xf32, #tpu.memory_space<vmem>>, vector<1x16xf32>,
        %get3A_506 = vector.shape_cast %get3A_505 : vector<1x16xf32> to vector<16xf32>
        %add3A_507 = arith.addf %scan3A_498, %get3A_506 : vector<16xf32>
        %scan3A_508 = arith.constant 1 : i32
        %scan3A_509 = arith.addi %scan3A_496, %scan3A_508 : i32
        %get3A_510 = arith.index_cast %scan3A_509 : i32 to index
        %get3A_511 = arith.constant 0 : index
        %get3A_512 = tpu.vector_load %arg10[%get3A_510, %get3A_511] {strides = array<i32>} : memref<200x32xf32, #tpu.memory_space<vmem>>, vector<1x16xf32>,
        %get3A_513 = vector.shape_cast %get3A_512 : vector<1x16xf32> to vector<16xf32>
        %add3A_514 = arith.addf %add3A_502, %get3A_513 : vector<16xf32>
        %get3A_515 = arith.index_cast %scan3A_509 : i32 to index
        %get3A_516 = arith.constant 16 : index
        %get3A_517 = tpu.vector_load %arg10[%get3A_515, %get3A_516] {strides = array<i32>} : memref<200x32xf32, #tpu.memory_space<vmem>>, vector<1x16xf32>,
        %get3A_518 = vector.shape_cast %get3A_517 : vector<1x16xf32> to vector<16xf32>
        %add3A_519 = arith.addf %add3A_507, %get3A_518 : vector<16xf32>
        %scan3A_520 = arith.constant 2 : i32
        %scan3A_521 = arith.addi %scan3A_496, %scan3A_520 : i32
        %get3A_522 = arith.index_cast %scan3A_521 : i32 to index
        %get3A_523 = arith.constant 0 : index
        %get3A_524 = tpu.vector_load %arg10[%get3A_522, %get3A_523] {strides = array<i32>} : memref<200x32xf32, #tpu.memory_space<vmem>>, vector<1x16xf32>,
        %get3A_525 = vector.shape_cast %get3A_524 : vector<1x16xf32> to vector<16xf32>
        %add3A_526 = arith.addf %add3A_514, %get3A_525 : vector<16xf32>
        %get3A_527 = arith.index_cast %scan3A_521 : i32 to index
        %get3A_528 = arith.constant 16 : index
        %get3A_529 = tpu.vector_load %arg10[%get3A_527, %get3A_528] {strides = array<i32>} : memref<200x32xf32, #tpu.memory_space<vmem>>, vector<1x16xf32>,
        %get3A_530 = vector.shape_cast %get3A_529 : vector<1x16xf32> to vector<16xf32>
        %add3A_531 = arith.addf %add3A_519, %get3A_530 : vector<16xf32>
        %scan3A_532 = arith.constant 3 : i32
        %scan3A_533 = arith.addi %scan3A_496, %scan3A_532 : i32
        %get3A_534 = arith.index_cast %scan3A_533 : i32 to index
        %get3A_535 = arith.constant 0 : index
        %get3A_536 = tpu.vector_load %arg10[%get3A_534, %get3A_535] {strides = array<i32>} : memref<200x32xf32, #tpu.memory_space<vmem>>, vector<1x16xf32>,
        %get3A_537 = vector.shape_cast %get3A_536 : vector<1x16xf32> to vector<16xf32>
        %add3A_538 = arith.addf %add3A_526, %get3A_537 : vector<16xf32>
        %get3A_539 = arith.index_cast %scan3A_533 : i32 to index
        %get3A_540 = arith.constant 16 : index
        %get3A_541 = tpu.vector_load %arg10[%get3A_539, %get3A_540] {strides = array<i32>} : memref<200x32xf32, #tpu.memory_space<vmem>>, vector<1x16xf32>,
        %get3A_542 = vector.shape_cast %get3A_541 : vector<1x16xf32> to vector<16xf32>
        %add3A_543 = arith.addf %add3A_531, %get3A_542 : vector<16xf32>
        %scan3A_544 = arith.constant 4 : i32
        %scan3A_545 = arith.addi %scan3A_496, %scan3A_544 : i32
        %get3A_546 = arith.index_cast %scan3A_545 : i32 to index
        %get3A_547 = arith.constant 0 : index
        %get3A_548 = tpu.vector_load %arg10[%get3A_546, %get3A_547] {strides = array<i32>} : memref<200x32xf32, #tpu.memory_space<vmem>>, vector<1x16xf32>,
        %get3A_549 = vector.shape_cast %get3A_548 : vector<1x16xf32> to vector<16xf32>
        %add3A_550 = arith.addf %add3A_538, %get3A_549 : vector<16xf32>
        %get3A_551 = arith.index_cast %scan3A_545 : i32 to index
        %get3A_552 = arith.constant 16 : index
        %get3A_553 = tpu.vector_load %arg10[%get3A_551, %get3A_552] {strides = array<i32>} : memref<200x32xf32, #tpu.memory_space<vmem>>, vector<1x16xf32>,
        %get3A_554 = vector.shape_cast %get3A_553 : vector<1x16xf32> to vector<16xf32>
        %add3A_555 = arith.addf %add3A_543, %get3A_554 : vector<16xf32>
        %scan3A_556 = arith.constant 5 : i32
        %scan3A_557 = arith.addi %scan3A_496, %scan3A_556 : i32
        %get3A_558 = arith.index_cast %scan3A_557 : i32 to index
        %get3A_559 = arith.constant 0 : index
        %get3A_560 = tpu.vector_load %arg10[%get3A_558, %get3A_559] {strides = array<i32>} : memref<200x32xf32, #tpu.memory_space<vmem>>, vector<1x16xf32>,
        %get3A_561 = vector.shape_cast %get3A_560 : vector<1x16xf32> to vector<16xf32>
        %add3A_562 = arith.addf %add3A_550, %get3A_561 : vector<16xf32>
        %get3A_563 = arith.index_cast %scan3A_557 : i32 to index
        %get3A_564 = arith.constant 16 : index
        %get3A_565 = tpu.vector_load %arg10[%get3A_563, %get3A_564] {strides = array<i32>} : memref<200x32xf32, #tpu.memory_space<vmem>>, vector<1x16xf32>,
        %get3A_566 = vector.shape_cast %get3A_565 : vector<1x16xf32> to vector<16xf32>
        %add3A_567 = arith.addf %add3A_555, %get3A_566 : vector<16xf32>
        %scan3A_568 = arith.constant 6 : i32
        %scan3A_569 = arith.addi %scan3A_496, %scan3A_568 : i32
        %get3A_570 = arith.index_cast %scan3A_569 : i32 to index
        %get3A_571 = arith.constant 0 : index
        %get3A_572 = tpu.vector_load %arg10[%get3A_570, %get3A_571] {strides = array<i32>} : memref<200x32xf32, #tpu.memory_space<vmem>>, vector<1x16xf32>,
        %get3A_573 = vector.shape_cast %get3A_572 : vector<1x16xf32> to vector<16xf32>
        %add3A_574 = arith.addf %add3A_562, %get3A_573 : vector<16xf32>
        %get3A_575 = arith.index_cast %scan3A_569 : i32 to index
        %get3A_576 = arith.constant 16 : index
        %get3A_577 = tpu.vector_load %arg10[%get3A_575, %get3A_576] {strides = array<i32>} : memref<200x32xf32, #tpu.memory_space<vmem>>, vector<1x16xf32>,
        %get3A_578 = vector.shape_cast %get3A_577 : vector<1x16xf32> to vector<16xf32>
        %add3A_579 = arith.addf %add3A_567, %get3A_578 : vector<16xf32>
        %scan3A_580 = arith.constant 7 : i32
        %scan3A_581 = arith.addi %scan3A_496, %scan3A_580 : i32
        %get3A_582 = arith.index_cast %scan3A_581 : i32 to index
        %get3A_583 = arith.constant 0 : index
        %get3A_584 = tpu.vector_load %arg10[%get3A_582, %get3A_583] {strides = array<i32>} : memref<200x32xf32, #tpu.memory_space<vmem>>, vector<1x16xf32>,
        %get3A_585 = vector.shape_cast %get3A_584 : vector<1x16xf32> to vector<16xf32>
        %add3A_586 = arith.addf %add3A_574, %get3A_585 : vector<16xf32>
        %get3A_587 = arith.index_cast %scan3A_581 : i32 to index
        %get3A_588 = arith.constant 16 : index
        %get3A_589 = tpu.vector_load %arg10[%get3A_587, %get3A_588] {strides = array<i32>} : memref<200x32xf32, #tpu.memory_space<vmem>>, vector<1x16xf32>,
        %get3A_590 = vector.shape_cast %get3A_589 : vector<1x16xf32> to vector<16xf32>
        %add3A_591 = arith.addf %add3A_579, %get3A_590 : vector<16xf32>
        scf.yield %add3A_586, %add3A_591 : vector<16xf32>, vector<16xf32>
      }
      %scan3A_298 = arith.constant 200 : i32
      %swap3A_299 = arith.index_cast %add3A_272 : i32 to index
      %swap3A_300 = arith.constant 0 : index
      %swap3A_301 = tpu.vector_load %arg6[%swap3A_299, %swap3A_300] {strides = array<i32>} : memref<128x32xf32, #tpu.memory_space<vmem>>, vector<1x16xf32>,
      %swap3A_302 = vector.shape_cast %swap3A_301 : vector<1x16xf32> to vector<16xf32>
      %swap3A_303 = vector.shape_cast %scan3A_297#0 : vector<16xf32> to vector<1x16xf32>
      tpu.vector_store %arg6[%swap3A_299, %swap3A_300], %swap3A_303 {strides = array<i32>} : memref<128x32xf32, #tpu.memory_space<vmem>>, vector<1x16xf32>,
      %swap3A_304 = arith.index_cast %add3A_272 : i32 to index
      %swap3A_305 = arith.constant 16 : index
      %swap3A_306 = tpu.vector_load %arg6[%swap3A_304, %swap3A_305] {strides = array<i32>} : memref<128x32xf32, #tpu.memory_space<vmem>>, vector<1x16xf32>,
      %swap3A_307 = vector.shape_cast %swap3A_306 : vector<1x16xf32> to vector<16xf32>
      %swap3A_308 = vector.shape_cast %scan3A_297#1 : vector<16xf32> to vector<1x16xf32>
      tpu.vector_store %arg6[%swap3A_304, %swap3A_305], %swap3A_308 {strides = array<i32>} : memref<128x32xf32, #tpu.memory_space<vmem>>, vector<1x16xf32>,
      %add3A_309 = arith.constant 8 : i32
      %add3A_310 = arith.addi %add3A_272, %add3A_309 : i32
      %lt3A_311 = arith.constant 128 : i32
      %lt3A_312 = arith.cmpi slt, %add3A_310, %lt3A_311 : i32
      %convert_element_type3A_313 = arith.extui %lt3A_312 : i1 to i32
      %cond3A_314 = arith.constant 0 : i32
      %cond3A_315 = arith.cmpi ne, %convert_element_type3A_313, %cond3A_314 : i32
      scf.if %cond3A_315 {
        %add3A_496 = arith.constant 8 : i32
        %add3A_497 = arith.addi %add3A_272, %add3A_496 : i32
        %mul3A_498 = arith.constant 200 : i32
        %mul3A_499 = arith.muli %add3A_497, %mul3A_498 : i32
        %dma_start3A_500 = arith.constant 0 : i32
        %dma_start3A_501 = arith.constant 0 : i32
        %dma_start3A_502 = tpu.memref_slice %arg10[%dma_start3A_500, %dma_start3A_501] : memref<200x32xf32, #tpu.memory_space<vmem>> -> memref<128x32xf32, #tpu.memory_space<vmem>>
        %dma_start3A_503 = tpu.memref_slice %arg5[%mul3A_499] : memref<25600xi32, #tpu.memory_space<vmem>> -> memref<128xi32, #tpu.memory_space<vmem>>
        %dma_start3A_504 = arith.constant 0 : i32
        %dma_start3A_505 = arith.constant 0 : i32
        %dma_start3A_506 = tpu.memref_slice %arg3[%dma_start3A_504, %dma_start3A_505] : memref<1000000x32xf32, #tpu.memory_space<hbm>> -> memref<1000000x32xf32, #tpu.memory_space<hbm>>
        tpu.enqueue_indirect_dma source(%dma_start3A_506 : memref<1000000x32xf32, #tpu.memory_space<hbm>>) target(%dma_start3A_502 : memref<128x32xf32, #tpu.memory_space<vmem>>) offsets(%dma_start3A_503 : memref<128xi32, #tpu.memory_space<vmem>>) semaphore(%arg18 : memref<!tpu.dma_semaphore, #tpu.memory_space<semaphore_mem>>)
        %mul3A_507 = arith.constant 200 : i32
        %mul3A_508 = arith.muli %add3A_497, %mul3A_507 : i32
        %add3A_509 = arith.constant 128 : i32
        %add3A_510 = arith.addi %mul3A_508, %add3A_509 : i32
        %dma_start3A_511 = arith.constant 128 : i32
        %dma_start3A_512 = arith.constant 0 : i32
        %dma_start3A_513 = tpu.memref_slice %arg10[%dma_start3A_511, %dma_start3A_512] : memref<200x32xf32, #tpu.memory_space<vmem>> -> memref<72x32xf32, #tpu.memory_space<vmem>>
        %dma_start3A_514 = tpu.memref_slice %arg5[%add3A_510] : memref<25600xi32, #tpu.memory_space<vmem>> -> memref<72xi32, #tpu.memory_space<vmem>>
        %dma_start3A_515 = arith.constant 0 : i32
        %dma_start3A_516 = arith.constant 0 : i32
        %dma_start3A_517 = tpu.memref_slice %arg3[%dma_start3A_515, %dma_start3A_516] : memref<1000000x32xf32, #tpu.memory_space<hbm>> -> memref<1000000x32xf32, #tpu.memory_space<hbm>>
        tpu.enqueue_indirect_dma source(%dma_start3A_517 : memref<1000000x32xf32, #tpu.memory_space<hbm>>) target(%dma_start3A_513 : memref<72x32xf32, #tpu.memory_space<vmem>>) offsets(%dma_start3A_514 : memref<72xi32, #tpu.memory_space<vmem>>) semaphore(%arg18 : memref<!tpu.dma_semaphore, #tpu.memory_space<semaphore_mem>>)
      } else {
      }
      %add3A_316 = arith.constant 4 : i32
      %add3A_317 = arith.addi %mul3A_140, %add3A_316 : i32
      %mul3A_318 = arith.constant 200 : i32
      %mul3A_319 = arith.muli %add3A_317, %mul3A_318 : i32
      %dma_wait3A_320 = arith.constant 0 : i32
      %dma_wait3A_321 = arith.constant 0 : i32
      %dma_wait3A_322 = tpu.memref_slice %arg11[%dma_wait3A_320, %dma_wait3A_321] : memref<200x32xf32, #tpu.memory_space<vmem>> -> memref<128x32xf32, #tpu.memory_space<vmem>>
      %dma_wait3A_323 = tpu.memref_slice %arg5[%mul3A_319] : memref<25600xi32, #tpu.memory_space<vmem>> -> memref<128xi32, #tpu.memory_space<vmem>>
      %dma_wait3A_324 = arith.constant 0 : i32
      %dma_wait3A_325 = arith.constant 0 : i32
      %dma_wait3A_326 = tpu.memref_slice %arg3[%dma_wait3A_324, %dma_wait3A_325] : memref<1000000x32xf32, #tpu.memory_space<hbm>> -> memref<1000000x32xf32, #tpu.memory_space<hbm>>
      tpu.wait_indirect_dma semaphore(%arg19 : memref<!tpu.dma_semaphore, #tpu.memory_space<semaphore_mem>>) src(%dma_wait3A_326 : memref<1000000x32xf32, #tpu.memory_space<hbm>>) dst(%dma_wait3A_322 : memref<128x32xf32, #tpu.memory_space<vmem>>)
      %mul3A_327 = arith.constant 200 : i32
      %mul3A_328 = arith.muli %add3A_317, %mul3A_327 : i32
      %add3A_329 = arith.constant 128 : i32
      %add3A_330 = arith.addi %mul3A_328, %add3A_329 : i32
      %dma_wait3A_331 = arith.constant 128 : i32
      %dma_wait3A_332 = arith.constant 0 : i32
      %dma_wait3A_333 = tpu.memref_slice %arg11[%dma_wait3A_331, %dma_wait3A_332] : memref<200x32xf32, #tpu.memory_space<vmem>> -> memref<72x32xf32, #tpu.memory_space<vmem>>
      %dma_wait3A_334 = tpu.memref_slice %arg5[%add3A_330] : memref<25600xi32, #tpu.memory_space<vmem>> -> memref<72xi32, #tpu.memory_space<vmem>>
      %dma_wait3A_335 = arith.constant 0 : i32
      %dma_wait3A_336 = arith.constant 0 : i32
      %dma_wait3A_337 = tpu.memref_slice %arg3[%dma_wait3A_335, %dma_wait3A_336] : memref<1000000x32xf32, #tpu.memory_space<hbm>> -> memref<1000000x32xf32, #tpu.memory_space<hbm>>
      tpu.wait_indirect_dma semaphore(%arg19 : memref<!tpu.dma_semaphore, #tpu.memory_space<semaphore_mem>>) src(%dma_wait3A_337 : memref<1000000x32xf32, #tpu.memory_space<hbm>>) dst(%dma_wait3A_333 : memref<72x32xf32, #tpu.memory_space<vmem>>)
      %scan3A_338 = arith.constant 0 : i32
      %scan3A_339 = arith.constant 200 : i32
      %scan3A_340 = arith.addi %scan3A_338, %scan3A_339 : i32
      %scan3A_341 = arith.constant 8 : i32
      %scan3A_342:2 = scf.for %scan3A_496 = %scan3A_338 to %scan3A_340 step %scan3A_341 iter_args(%scan3A_497 = %broadcast_in_dim3A_132, %scan3A_498 = %broadcast_in_dim3A_132) -> (vector<16xf32>, vector<16xf32>)  : i32 {
        %get3A = arith.index_cast %scan3A_496 : i32 to index
        %get3A_499 = arith.constant 0 : index
        %get3A_500 = tpu.vector_load %arg11[%get3A, %get3A_499] {strides = array<i32>} : memref<200x32xf32, #tpu.memory_space<vmem>>, vector<1x16xf32>,
        %get3A_501 = vector.shape_cast %get3A_500 : vector<1x16xf32> to vector<16xf32>
        %add3A_502 = arith.addf %scan3A_497, %get3A_501 : vector<16xf32>
        %get3A_503 = arith.index_cast %scan3A_496 : i32 to index
        %get3A_504 = arith.constant 16 : index
        %get3A_505 = tpu.vector_load %arg11[%get3A_503, %get3A_504] {strides = array<i32>} : memref<200x32xf32, #tpu.memory_space<vmem>>, vector<1x16xf32>,
        %get3A_506 = vector.shape_cast %get3A_505 : vector<1x16xf32> to vector<16xf32>
        %add3A_507 = arith.addf %scan3A_498, %get3A_506 : vector<16xf32>
        %scan3A_508 = arith.constant 1 : i32
        %scan3A_509 = arith.addi %scan3A_496, %scan3A_508 : i32
        %get3A_510 = arith.index_cast %scan3A_509 : i32 to index
        %get3A_511 = arith.constant 0 : index
        %get3A_512 = tpu.vector_load %arg11[%get3A_510, %get3A_511] {strides = array<i32>} : memref<200x32xf32, #tpu.memory_space<vmem>>, vector<1x16xf32>,
        %get3A_513 = vector.shape_cast %get3A_512 : vector<1x16xf32> to vector<16xf32>
        %add3A_514 = arith.addf %add3A_502, %get3A_513 : vector<16xf32>
        %get3A_515 = arith.index_cast %scan3A_509 : i32 to index
        %get3A_516 = arith.constant 16 : index
        %get3A_517 = tpu.vector_load %arg11[%get3A_515, %get3A_516] {strides = array<i32>} : memref<200x32xf32, #tpu.memory_space<vmem>>, vector<1x16xf32>,
        %get3A_518 = vector.shape_cast %get3A_517 : vector<1x16xf32> to vector<16xf32>
        %add3A_519 = arith.addf %add3A_507, %get3A_518 : vector<16xf32>
        %scan3A_520 = arith.constant 2 : i32
        %scan3A_521 = arith.addi %scan3A_496, %scan3A_520 : i32
        %get3A_522 = arith.index_cast %scan3A_521 : i32 to index
        %get3A_523 = arith.constant 0 : index
        %get3A_524 = tpu.vector_load %arg11[%get3A_522, %get3A_523] {strides = array<i32>} : memref<200x32xf32, #tpu.memory_space<vmem>>, vector<1x16xf32>,
        %get3A_525 = vector.shape_cast %get3A_524 : vector<1x16xf32> to vector<16xf32>
        %add3A_526 = arith.addf %add3A_514, %get3A_525 : vector<16xf32>
        %get3A_527 = arith.index_cast %scan3A_521 : i32 to index
        %get3A_528 = arith.constant 16 : index
        %get3A_529 = tpu.vector_load %arg11[%get3A_527, %get3A_528] {strides = array<i32>} : memref<200x32xf32, #tpu.memory_space<vmem>>, vector<1x16xf32>,
        %get3A_530 = vector.shape_cast %get3A_529 : vector<1x16xf32> to vector<16xf32>
        %add3A_531 = arith.addf %add3A_519, %get3A_530 : vector<16xf32>
        %scan3A_532 = arith.constant 3 : i32
        %scan3A_533 = arith.addi %scan3A_496, %scan3A_532 : i32
        %get3A_534 = arith.index_cast %scan3A_533 : i32 to index
        %get3A_535 = arith.constant 0 : index
        %get3A_536 = tpu.vector_load %arg11[%get3A_534, %get3A_535] {strides = array<i32>} : memref<200x32xf32, #tpu.memory_space<vmem>>, vector<1x16xf32>,
        %get3A_537 = vector.shape_cast %get3A_536 : vector<1x16xf32> to vector<16xf32>
        %add3A_538 = arith.addf %add3A_526, %get3A_537 : vector<16xf32>
        %get3A_539 = arith.index_cast %scan3A_533 : i32 to index
        %get3A_540 = arith.constant 16 : index
        %get3A_541 = tpu.vector_load %arg11[%get3A_539, %get3A_540] {strides = array<i32>} : memref<200x32xf32, #tpu.memory_space<vmem>>, vector<1x16xf32>,
        %get3A_542 = vector.shape_cast %get3A_541 : vector<1x16xf32> to vector<16xf32>
        %add3A_543 = arith.addf %add3A_531, %get3A_542 : vector<16xf32>
        %scan3A_544 = arith.constant 4 : i32
        %scan3A_545 = arith.addi %scan3A_496, %scan3A_544 : i32
        %get3A_546 = arith.index_cast %scan3A_545 : i32 to index
        %get3A_547 = arith.constant 0 : index
        %get3A_548 = tpu.vector_load %arg11[%get3A_546, %get3A_547] {strides = array<i32>} : memref<200x32xf32, #tpu.memory_space<vmem>>, vector<1x16xf32>,
        %get3A_549 = vector.shape_cast %get3A_548 : vector<1x16xf32> to vector<16xf32>
        %add3A_550 = arith.addf %add3A_538, %get3A_549 : vector<16xf32>
        %get3A_551 = arith.index_cast %scan3A_545 : i32 to index
        %get3A_552 = arith.constant 16 : index
        %get3A_553 = tpu.vector_load %arg11[%get3A_551, %get3A_552] {strides = array<i32>} : memref<200x32xf32, #tpu.memory_space<vmem>>, vector<1x16xf32>,
        %get3A_554 = vector.shape_cast %get3A_553 : vector<1x16xf32> to vector<16xf32>
        %add3A_555 = arith.addf %add3A_543, %get3A_554 : vector<16xf32>
        %scan3A_556 = arith.constant 5 : i32
        %scan3A_557 = arith.addi %scan3A_496, %scan3A_556 : i32
        %get3A_558 = arith.index_cast %scan3A_557 : i32 to index
        %get3A_559 = arith.constant 0 : index
        %get3A_560 = tpu.vector_load %arg11[%get3A_558, %get3A_559] {strides = array<i32>} : memref<200x32xf32, #tpu.memory_space<vmem>>, vector<1x16xf32>,
        %get3A_561 = vector.shape_cast %get3A_560 : vector<1x16xf32> to vector<16xf32>
        %add3A_562 = arith.addf %add3A_550, %get3A_561 : vector<16xf32>
        %get3A_563 = arith.index_cast %scan3A_557 : i32 to index
        %get3A_564 = arith.constant 16 : index
        %get3A_565 = tpu.vector_load %arg11[%get3A_563, %get3A_564] {strides = array<i32>} : memref<200x32xf32, #tpu.memory_space<vmem>>, vector<1x16xf32>,
        %get3A_566 = vector.shape_cast %get3A_565 : vector<1x16xf32> to vector<16xf32>
        %add3A_567 = arith.addf %add3A_555, %get3A_566 : vector<16xf32>
        %scan3A_568 = arith.constant 6 : i32
        %scan3A_569 = arith.addi %scan3A_496, %scan3A_568 : i32
        %get3A_570 = arith.index_cast %scan3A_569 : i32 to index
        %get3A_571 = arith.constant 0 : index
        %get3A_572 = tpu.vector_load %arg11[%get3A_570, %get3A_571] {strides = array<i32>} : memref<200x32xf32, #tpu.memory_space<vmem>>, vector<1x16xf32>,
        %get3A_573 = vector.shape_cast %get3A_572 : vector<1x16xf32> to vector<16xf32>
        %add3A_574 = arith.addf %add3A_562, %get3A_573 : vector<16xf32>
        %get3A_575 = arith.index_cast %scan3A_569 : i32 to index
        %get3A_576 = arith.constant 16 : index
        %get3A_577 = tpu.vector_load %arg11[%get3A_575, %get3A_576] {strides = array<i32>} : memref<200x32xf32, #tpu.memory_space<vmem>>, vector<1x16xf32>,
        %get3A_578 = vector.shape_cast %get3A_577 : vector<1x16xf32> to vector<16xf32>
        %add3A_579 = arith.addf %add3A_567, %get3A_578 : vector<16xf32>
        %scan3A_580 = arith.constant 7 : i32
        %scan3A_581 = arith.addi %scan3A_496, %scan3A_580 : i32
        %get3A_582 = arith.index_cast %scan3A_581 : i32 to index
        %get3A_583 = arith.constant 0 : index
        %get3A_584 = tpu.vector_load %arg11[%get3A_582, %get3A_583] {strides = array<i32>} : memref<200x32xf32, #tpu.memory_space<vmem>>, vector<1x16xf32>,
        %get3A_585 = vector.shape_cast %get3A_584 : vector<1x16xf32> to vector<16xf32>
        %add3A_586 = arith.addf %add3A_574, %get3A_585 : vector<16xf32>
        %get3A_587 = arith.index_cast %scan3A_581 : i32 to index
        %get3A_588 = arith.constant 16 : index
        %get3A_589 = tpu.vector_load %arg11[%get3A_587, %get3A_588] {strides = array<i32>} : memref<200x32xf32, #tpu.memory_space<vmem>>, vector<1x16xf32>,
        %get3A_590 = vector.shape_cast %get3A_589 : vector<1x16xf32> to vector<16xf32>
        %add3A_591 = arith.addf %add3A_579, %get3A_590 : vector<16xf32>
        scf.yield %add3A_586, %add3A_591 : vector<16xf32>, vector<16xf32>
      }
      %scan3A_343 = arith.constant 200 : i32
      %swap3A_344 = arith.index_cast %add3A_317 : i32 to index
      %swap3A_345 = arith.constant 0 : index
      %swap3A_346 = tpu.vector_load %arg6[%swap3A_344, %swap3A_345] {strides = array<i32>} : memref<128x32xf32, #tpu.memory_space<vmem>>, vector<1x16xf32>,
      %swap3A_347 = vector.shape_cast %swap3A_346 : vector<1x16xf32> to vector<16xf32>
      %swap3A_348 = vector.shape_cast %scan3A_342#0 : vector<16xf32> to vector<1x16xf32>
      tpu.vector_store %arg6[%swap3A_344, %swap3A_345], %swap3A_348 {strides = array<i32>} : memref<128x32xf32, #tpu.memory_space<vmem>>, vector<1x16xf32>,
      %swap3A_349 = arith.index_cast %add3A_317 : i32 to index
      %swap3A_350 = arith.constant 16 : index
      %swap3A_351 = tpu.vector_load %arg6[%swap3A_349, %swap3A_350] {strides = array<i32>} : memref<128x32xf32, #tpu.memory_space<vmem>>, vector<1x16xf32>,
      %swap3A_352 = vector.shape_cast %swap3A_351 : vector<1x16xf32> to vector<16xf32>
      %swap3A_353 = vector.shape_cast %scan3A_342#1 : vector<16xf32> to vector<1x16xf32>
      tpu.vector_store %arg6[%swap3A_349, %swap3A_350], %swap3A_353 {strides = array<i32>} : memref<128x32xf32, #tpu.memory_space<vmem>>, vector<1x16xf32>,
      %add3A_354 = arith.constant 8 : i32
      %add3A_355 = arith.addi %add3A_317, %add3A_354 : i32
      %lt3A_356 = arith.constant 128 : i32
      %lt3A_357 = arith.cmpi slt, %add3A_355, %lt3A_356 : i32
      %convert_element_type3A_358 = arith.extui %lt3A_357 : i1 to i32
      %cond3A_359 = arith.constant 0 : i32
      %cond3A_360 = arith.cmpi ne, %convert_element_type3A_358, %cond3A_359 : i32
      scf.if %cond3A_360 {
        %add3A_496 = arith.constant 8 : i32
        %add3A_497 = arith.addi %add3A_317, %add3A_496 : i32
        %mul3A_498 = arith.constant 200 : i32
        %mul3A_499 = arith.muli %add3A_497, %mul3A_498 : i32
        %dma_start3A_500 = arith.constant 0 : i32
        %dma_start3A_501 = arith.constant 0 : i32
        %dma_start3A_502 = tpu.memref_slice %arg11[%dma_start3A_500, %dma_start3A_501] : memref<200x32xf32, #tpu.memory_space<vmem>> -> memref<128x32xf32, #tpu.memory_space<vmem>>
        %dma_start3A_503 = tpu.memref_slice %arg5[%mul3A_499] : memref<25600xi32, #tpu.memory_space<vmem>> -> memref<128xi32, #tpu.memory_space<vmem>>
        %dma_start3A_504 = arith.constant 0 : i32
        %dma_start3A_505 = arith.constant 0 : i32
        %dma_start3A_506 = tpu.memref_slice %arg3[%dma_start3A_504, %dma_start3A_505] : memref<1000000x32xf32, #tpu.memory_space<hbm>> -> memref<1000000x32xf32, #tpu.memory_space<hbm>>
        tpu.enqueue_indirect_dma source(%dma_start3A_506 : memref<1000000x32xf32, #tpu.memory_space<hbm>>) target(%dma_start3A_502 : memref<128x32xf32, #tpu.memory_space<vmem>>) offsets(%dma_start3A_503 : memref<128xi32, #tpu.memory_space<vmem>>) semaphore(%arg19 : memref<!tpu.dma_semaphore, #tpu.memory_space<semaphore_mem>>)
        %mul3A_507 = arith.constant 200 : i32
        %mul3A_508 = arith.muli %add3A_497, %mul3A_507 : i32
        %add3A_509 = arith.constant 128 : i32
        %add3A_510 = arith.addi %mul3A_508, %add3A_509 : i32
        %dma_start3A_511 = arith.constant 128 : i32
        %dma_start3A_512 = arith.constant 0 : i32
        %dma_start3A_513 = tpu.memref_slice %arg11[%dma_start3A_511, %dma_start3A_512] : memref<200x32xf32, #tpu.memory_space<vmem>> -> memref<72x32xf32, #tpu.memory_space<vmem>>
        %dma_start3A_514 = tpu.memref_slice %arg5[%add3A_510] : memref<25600xi32, #tpu.memory_space<vmem>> -> memref<72xi32, #tpu.memory_space<vmem>>
        %dma_start3A_515 = arith.constant 0 : i32
        %dma_start3A_516 = arith.constant 0 : i32
        %dma_start3A_517 = tpu.memref_slice %arg3[%dma_start3A_515, %dma_start3A_516] : memref<1000000x32xf32, #tpu.memory_space<hbm>> -> memref<1000000x32xf32, #tpu.memory_space<hbm>>
        tpu.enqueue_indirect_dma source(%dma_start3A_517 : memref<1000000x32xf32, #tpu.memory_space<hbm>>) target(%dma_start3A_513 : memref<72x32xf32, #tpu.memory_space<vmem>>) offsets(%dma_start3A_514 : memref<72xi32, #tpu.memory_space<vmem>>) semaphore(%arg19 : memref<!tpu.dma_semaphore, #tpu.memory_space<semaphore_mem>>)
      } else {
      }
      %add3A_361 = arith.constant 5 : i32
      %add3A_362 = arith.addi %mul3A_140, %add3A_361 : i32
      %mul3A_363 = arith.constant 200 : i32
      %mul3A_364 = arith.muli %add3A_362, %mul3A_363 : i32
      %dma_wait3A_365 = arith.constant 0 : i32
      %dma_wait3A_366 = arith.constant 0 : i32
      %dma_wait3A_367 = tpu.memref_slice %arg12[%dma_wait3A_365, %dma_wait3A_366] : memref<200x32xf32, #tpu.memory_space<vmem>> -> memref<128x32xf32, #tpu.memory_space<vmem>>
      %dma_wait3A_368 = tpu.memref_slice %arg5[%mul3A_364] : memref<25600xi32, #tpu.memory_space<vmem>> -> memref<128xi32, #tpu.memory_space<vmem>>
      %dma_wait3A_369 = arith.constant 0 : i32
      %dma_wait3A_370 = arith.constant 0 : i32
      %dma_wait3A_371 = tpu.memref_slice %arg3[%dma_wait3A_369, %dma_wait3A_370] : memref<1000000x32xf32, #tpu.memory_space<hbm>> -> memref<1000000x32xf32, #tpu.memory_space<hbm>>
      tpu.wait_indirect_dma semaphore(%arg20 : memref<!tpu.dma_semaphore, #tpu.memory_space<semaphore_mem>>) src(%dma_wait3A_371 : memref<1000000x32xf32, #tpu.memory_space<hbm>>) dst(%dma_wait3A_367 : memref<128x32xf32, #tpu.memory_space<vmem>>)
      %mul3A_372 = arith.constant 200 : i32
      %mul3A_373 = arith.muli %add3A_362, %mul3A_372 : i32
      %add3A_374 = arith.constant 128 : i32
      %add3A_375 = arith.addi %mul3A_373, %add3A_374 : i32
      %dma_wait3A_376 = arith.constant 128 : i32
      %dma_wait3A_377 = arith.constant 0 : i32
      %dma_wait3A_378 = tpu.memref_slice %arg12[%dma_wait3A_376, %dma_wait3A_377] : memref<200x32xf32, #tpu.memory_space<vmem>> -> memref<72x32xf32, #tpu.memory_space<vmem>>
      %dma_wait3A_379 = tpu.memref_slice %arg5[%add3A_375] : memref<25600xi32, #tpu.memory_space<vmem>> -> memref<72xi32, #tpu.memory_space<vmem>>
      %dma_wait3A_380 = arith.constant 0 : i32
      %dma_wait3A_381 = arith.constant 0 : i32
      %dma_wait3A_382 = tpu.memref_slice %arg3[%dma_wait3A_380, %dma_wait3A_381] : memref<1000000x32xf32, #tpu.memory_space<hbm>> -> memref<1000000x32xf32, #tpu.memory_space<hbm>>
      tpu.wait_indirect_dma semaphore(%arg20 : memref<!tpu.dma_semaphore, #tpu.memory_space<semaphore_mem>>) src(%dma_wait3A_382 : memref<1000000x32xf32, #tpu.memory_space<hbm>>) dst(%dma_wait3A_378 : memref<72x32xf32, #tpu.memory_space<vmem>>)
      %scan3A_383 = arith.constant 0 : i32
      %scan3A_384 = arith.constant 200 : i32
      %scan3A_385 = arith.addi %scan3A_383, %scan3A_384 : i32
      %scan3A_386 = arith.constant 8 : i32
      %scan3A_387:2 = scf.for %scan3A_496 = %scan3A_383 to %scan3A_385 step %scan3A_386 iter_args(%scan3A_497 = %broadcast_in_dim3A_132, %scan3A_498 = %broadcast_in_dim3A_132) -> (vector<16xf32>, vector<16xf32>)  : i32 {
        %get3A = arith.index_cast %scan3A_496 : i32 to index
        %get3A_499 = arith.constant 0 : index
        %get3A_500 = tpu.vector_load %arg12[%get3A, %get3A_499] {strides = array<i32>} : memref<200x32xf32, #tpu.memory_space<vmem>>, vector<1x16xf32>,
        %get3A_501 = vector.shape_cast %get3A_500 : vector<1x16xf32> to vector<16xf32>
        %add3A_502 = arith.addf %scan3A_497, %get3A_501 : vector<16xf32>
        %get3A_503 = arith.index_cast %scan3A_496 : i32 to index
        %get3A_504 = arith.constant 16 : index
        %get3A_505 = tpu.vector_load %arg12[%get3A_503, %get3A_504] {strides = array<i32>} : memref<200x32xf32, #tpu.memory_space<vmem>>, vector<1x16xf32>,
        %get3A_506 = vector.shape_cast %get3A_505 : vector<1x16xf32> to vector<16xf32>
        %add3A_507 = arith.addf %scan3A_498, %get3A_506 : vector<16xf32>
        %scan3A_508 = arith.constant 1 : i32
        %scan3A_509 = arith.addi %scan3A_496, %scan3A_508 : i32
        %get3A_510 = arith.index_cast %scan3A_509 : i32 to index
        %get3A_511 = arith.constant 0 : index
        %get3A_512 = tpu.vector_load %arg12[%get3A_510, %get3A_511] {strides = array<i32>} : memref<200x32xf32, #tpu.memory_space<vmem>>, vector<1x16xf32>,
        %get3A_513 = vector.shape_cast %get3A_512 : vector<1x16xf32> to vector<16xf32>
        %add3A_514 = arith.addf %add3A_502, %get3A_513 : vector<16xf32>
        %get3A_515 = arith.index_cast %scan3A_509 : i32 to index
        %get3A_516 = arith.constant 16 : index
        %get3A_517 = tpu.vector_load %arg12[%get3A_515, %get3A_516] {strides = array<i32>} : memref<200x32xf32, #tpu.memory_space<vmem>>, vector<1x16xf32>,
        %get3A_518 = vector.shape_cast %get3A_517 : vector<1x16xf32> to vector<16xf32>
        %add3A_519 = arith.addf %add3A_507, %get3A_518 : vector<16xf32>
        %scan3A_520 = arith.constant 2 : i32
        %scan3A_521 = arith.addi %scan3A_496, %scan3A_520 : i32
        %get3A_522 = arith.index_cast %scan3A_521 : i32 to index
        %get3A_523 = arith.constant 0 : index
        %get3A_524 = tpu.vector_load %arg12[%get3A_522, %get3A_523] {strides = array<i32>} : memref<200x32xf32, #tpu.memory_space<vmem>>, vector<1x16xf32>,
        %get3A_525 = vector.shape_cast %get3A_524 : vector<1x16xf32> to vector<16xf32>
        %add3A_526 = arith.addf %add3A_514, %get3A_525 : vector<16xf32>
        %get3A_527 = arith.index_cast %scan3A_521 : i32 to index
        %get3A_528 = arith.constant 16 : index
        %get3A_529 = tpu.vector_load %arg12[%get3A_527, %get3A_528] {strides = array<i32>} : memref<200x32xf32, #tpu.memory_space<vmem>>, vector<1x16xf32>,
        %get3A_530 = vector.shape_cast %get3A_529 : vector<1x16xf32> to vector<16xf32>
        %add3A_531 = arith.addf %add3A_519, %get3A_530 : vector<16xf32>
        %scan3A_532 = arith.constant 3 : i32
        %scan3A_533 = arith.addi %scan3A_496, %scan3A_532 : i32
        %get3A_534 = arith.index_cast %scan3A_533 : i32 to index
        %get3A_535 = arith.constant 0 : index
        %get3A_536 = tpu.vector_load %arg12[%get3A_534, %get3A_535] {strides = array<i32>} : memref<200x32xf32, #tpu.memory_space<vmem>>, vector<1x16xf32>,
        %get3A_537 = vector.shape_cast %get3A_536 : vector<1x16xf32> to vector<16xf32>
        %add3A_538 = arith.addf %add3A_526, %get3A_537 : vector<16xf32>
        %get3A_539 = arith.index_cast %scan3A_533 : i32 to index
        %get3A_540 = arith.constant 16 : index
        %get3A_541 = tpu.vector_load %arg12[%get3A_539, %get3A_540] {strides = array<i32>} : memref<200x32xf32, #tpu.memory_space<vmem>>, vector<1x16xf32>,
        %get3A_542 = vector.shape_cast %get3A_541 : vector<1x16xf32> to vector<16xf32>
        %add3A_543 = arith.addf %add3A_531, %get3A_542 : vector<16xf32>
        %scan3A_544 = arith.constant 4 : i32
        %scan3A_545 = arith.addi %scan3A_496, %scan3A_544 : i32
        %get3A_546 = arith.index_cast %scan3A_545 : i32 to index
        %get3A_547 = arith.constant 0 : index
        %get3A_548 = tpu.vector_load %arg12[%get3A_546, %get3A_547] {strides = array<i32>} : memref<200x32xf32, #tpu.memory_space<vmem>>, vector<1x16xf32>,
        %get3A_549 = vector.shape_cast %get3A_548 : vector<1x16xf32> to vector<16xf32>
        %add3A_550 = arith.addf %add3A_538, %get3A_549 : vector<16xf32>
        %get3A_551 = arith.index_cast %scan3A_545 : i32 to index
        %get3A_552 = arith.constant 16 : index
        %get3A_553 = tpu.vector_load %arg12[%get3A_551, %get3A_552] {strides = array<i32>} : memref<200x32xf32, #tpu.memory_space<vmem>>, vector<1x16xf32>,
        %get3A_554 = vector.shape_cast %get3A_553 : vector<1x16xf32> to vector<16xf32>
        %add3A_555 = arith.addf %add3A_543, %get3A_554 : vector<16xf32>
        %scan3A_556 = arith.constant 5 : i32
        %scan3A_557 = arith.addi %scan3A_496, %scan3A_556 : i32
        %get3A_558 = arith.index_cast %scan3A_557 : i32 to index
        %get3A_559 = arith.constant 0 : index
        %get3A_560 = tpu.vector_load %arg12[%get3A_558, %get3A_559] {strides = array<i32>} : memref<200x32xf32, #tpu.memory_space<vmem>>, vector<1x16xf32>,
        %get3A_561 = vector.shape_cast %get3A_560 : vector<1x16xf32> to vector<16xf32>
        %add3A_562 = arith.addf %add3A_550, %get3A_561 : vector<16xf32>
        %get3A_563 = arith.index_cast %scan3A_557 : i32 to index
        %get3A_564 = arith.constant 16 : index
        %get3A_565 = tpu.vector_load %arg12[%get3A_563, %get3A_564] {strides = array<i32>} : memref<200x32xf32, #tpu.memory_space<vmem>>, vector<1x16xf32>,
        %get3A_566 = vector.shape_cast %get3A_565 : vector<1x16xf32> to vector<16xf32>
        %add3A_567 = arith.addf %add3A_555, %get3A_566 : vector<16xf32>
        %scan3A_568 = arith.constant 6 : i32
        %scan3A_569 = arith.addi %scan3A_496, %scan3A_568 : i32
        %get3A_570 = arith.index_cast %scan3A_569 : i32 to index
        %get3A_571 = arith.constant 0 : index
        %get3A_572 = tpu.vector_load %arg12[%get3A_570, %get3A_571] {strides = array<i32>} : memref<200x32xf32, #tpu.memory_space<vmem>>, vector<1x16xf32>,
        %get3A_573 = vector.shape_cast %get3A_572 : vector<1x16xf32> to vector<16xf32>
        %add3A_574 = arith.addf %add3A_562, %get3A_573 : vector<16xf32>
        %get3A_575 = arith.index_cast %scan3A_569 : i32 to index
        %get3A_576 = arith.constant 16 : index
        %get3A_577 = tpu.vector_load %arg12[%get3A_575, %get3A_576] {strides = array<i32>} : memref<200x32xf32, #tpu.memory_space<vmem>>, vector<1x16xf32>,
        %get3A_578 = vector.shape_cast %get3A_577 : vector<1x16xf32> to vector<16xf32>
        %add3A_579 = arith.addf %add3A_567, %get3A_578 : vector<16xf32>
        %scan3A_580 = arith.constant 7 : i32
        %scan3A_581 = arith.addi %scan3A_496, %scan3A_580 : i32
        %get3A_582 = arith.index_cast %scan3A_581 : i32 to index
        %get3A_583 = arith.constant 0 : index
        %get3A_584 = tpu.vector_load %arg12[%get3A_582, %get3A_583] {strides = array<i32>} : memref<200x32xf32, #tpu.memory_space<vmem>>, vector<1x16xf32>,
        %get3A_585 = vector.shape_cast %get3A_584 : vector<1x16xf32> to vector<16xf32>
        %add3A_586 = arith.addf %add3A_574, %get3A_585 : vector<16xf32>
        %get3A_587 = arith.index_cast %scan3A_581 : i32 to index
        %get3A_588 = arith.constant 16 : index
        %get3A_589 = tpu.vector_load %arg12[%get3A_587, %get3A_588] {strides = array<i32>} : memref<200x32xf32, #tpu.memory_space<vmem>>, vector<1x16xf32>,
        %get3A_590 = vector.shape_cast %get3A_589 : vector<1x16xf32> to vector<16xf32>
        %add3A_591 = arith.addf %add3A_579, %get3A_590 : vector<16xf32>
        scf.yield %add3A_586, %add3A_591 : vector<16xf32>, vector<16xf32>
      }
      %scan3A_388 = arith.constant 200 : i32
      %swap3A_389 = arith.index_cast %add3A_362 : i32 to index
      %swap3A_390 = arith.constant 0 : index
      %swap3A_391 = tpu.vector_load %arg6[%swap3A_389, %swap3A_390] {strides = array<i32>} : memref<128x32xf32, #tpu.memory_space<vmem>>, vector<1x16xf32>,
      %swap3A_392 = vector.shape_cast %swap3A_391 : vector<1x16xf32> to vector<16xf32>
      %swap3A_393 = vector.shape_cast %scan3A_387#0 : vector<16xf32> to vector<1x16xf32>
      tpu.vector_store %arg6[%swap3A_389, %swap3A_390], %swap3A_393 {strides = array<i32>} : memref<128x32xf32, #tpu.memory_space<vmem>>, vector<1x16xf32>,
      %swap3A_394 = arith.index_cast %add3A_362 : i32 to index
      %swap3A_395 = arith.constant 16 : index
      %swap3A_396 = tpu.vector_load %arg6[%swap3A_394, %swap3A_395] {strides = array<i32>} : memref<128x32xf32, #tpu.memory_space<vmem>>, vector<1x16xf32>,
      %swap3A_397 = vector.shape_cast %swap3A_396 : vector<1x16xf32> to vector<16xf32>
      %swap3A_398 = vector.shape_cast %scan3A_387#1 : vector<16xf32> to vector<1x16xf32>
      tpu.vector_store %arg6[%swap3A_394, %swap3A_395], %swap3A_398 {strides = array<i32>} : memref<128x32xf32, #tpu.memory_space<vmem>>, vector<1x16xf32>,
      %add3A_399 = arith.constant 8 : i32
      %add3A_400 = arith.addi %add3A_362, %add3A_399 : i32
      %lt3A_401 = arith.constant 128 : i32
      %lt3A_402 = arith.cmpi slt, %add3A_400, %lt3A_401 : i32
      %convert_element_type3A_403 = arith.extui %lt3A_402 : i1 to i32
      %cond3A_404 = arith.constant 0 : i32
      %cond3A_405 = arith.cmpi ne, %convert_element_type3A_403, %cond3A_404 : i32
      scf.if %cond3A_405 {
        %add3A_496 = arith.constant 8 : i32
        %add3A_497 = arith.addi %add3A_362, %add3A_496 : i32
        %mul3A_498 = arith.constant 200 : i32
        %mul3A_499 = arith.muli %add3A_497, %mul3A_498 : i32
        %dma_start3A_500 = arith.constant 0 : i32
        %dma_start3A_501 = arith.constant 0 : i32
        %dma_start3A_502 = tpu.memref_slice %arg12[%dma_start3A_500, %dma_start3A_501] : memref<200x32xf32, #tpu.memory_space<vmem>> -> memref<128x32xf32, #tpu.memory_space<vmem>>
        %dma_start3A_503 = tpu.memref_slice %arg5[%mul3A_499] : memref<25600xi32, #tpu.memory_space<vmem>> -> memref<128xi32, #tpu.memory_space<vmem>>
        %dma_start3A_504 = arith.constant 0 : i32
        %dma_start3A_505 = arith.constant 0 : i32
        %dma_start3A_506 = tpu.memref_slice %arg3[%dma_start3A_504, %dma_start3A_505] : memref<1000000x32xf32, #tpu.memory_space<hbm>> -> memref<1000000x32xf32, #tpu.memory_space<hbm>>
        tpu.enqueue_indirect_dma source(%dma_start3A_506 : memref<1000000x32xf32, #tpu.memory_space<hbm>>) target(%dma_start3A_502 : memref<128x32xf32, #tpu.memory_space<vmem>>) offsets(%dma_start3A_503 : memref<128xi32, #tpu.memory_space<vmem>>) semaphore(%arg20 : memref<!tpu.dma_semaphore, #tpu.memory_space<semaphore_mem>>)
        %mul3A_507 = arith.constant 200 : i32
        %mul3A_508 = arith.muli %add3A_497, %mul3A_507 : i32
        %add3A_509 = arith.constant 128 : i32
        %add3A_510 = arith.addi %mul3A_508, %add3A_509 : i32
        %dma_start3A_511 = arith.constant 128 : i32
        %dma_start3A_512 = arith.constant 0 : i32
        %dma_start3A_513 = tpu.memref_slice %arg12[%dma_start3A_511, %dma_start3A_512] : memref<200x32xf32, #tpu.memory_space<vmem>> -> memref<72x32xf32, #tpu.memory_space<vmem>>
        %dma_start3A_514 = tpu.memref_slice %arg5[%add3A_510] : memref<25600xi32, #tpu.memory_space<vmem>> -> memref<72xi32, #tpu.memory_space<vmem>>
        %dma_start3A_515 = arith.constant 0 : i32
        %dma_start3A_516 = arith.constant 0 : i32
        %dma_start3A_517 = tpu.memref_slice %arg3[%dma_start3A_515, %dma_start3A_516] : memref<1000000x32xf32, #tpu.memory_space<hbm>> -> memref<1000000x32xf32, #tpu.memory_space<hbm>>
        tpu.enqueue_indirect_dma source(%dma_start3A_517 : memref<1000000x32xf32, #tpu.memory_space<hbm>>) target(%dma_start3A_513 : memref<72x32xf32, #tpu.memory_space<vmem>>) offsets(%dma_start3A_514 : memref<72xi32, #tpu.memory_space<vmem>>) semaphore(%arg20 : memref<!tpu.dma_semaphore, #tpu.memory_space<semaphore_mem>>)
      } else {
      }
      %add3A_406 = arith.constant 6 : i32
      %add3A_407 = arith.addi %mul3A_140, %add3A_406 : i32
      %mul3A_408 = arith.constant 200 : i32
      %mul3A_409 = arith.muli %add3A_407, %mul3A_408 : i32
      %dma_wait3A_410 = arith.constant 0 : i32
      %dma_wait3A_411 = arith.constant 0 : i32
      %dma_wait3A_412 = tpu.memref_slice %arg13[%dma_wait3A_410, %dma_wait3A_411] : memref<200x32xf32, #tpu.memory_space<vmem>> -> memref<128x32xf32, #tpu.memory_space<vmem>>
      %dma_wait3A_413 = tpu.memref_slice %arg5[%mul3A_409] : memref<25600xi32, #tpu.memory_space<vmem>> -> memref<128xi32, #tpu.memory_space<vmem>>
      %dma_wait3A_414 = arith.constant 0 : i32
      %dma_wait3A_415 = arith.constant 0 : i32
      %dma_wait3A_416 = tpu.memref_slice %arg3[%dma_wait3A_414, %dma_wait3A_415] : memref<1000000x32xf32, #tpu.memory_space<hbm>> -> memref<1000000x32xf32, #tpu.memory_space<hbm>>
      tpu.wait_indirect_dma semaphore(%arg21 : memref<!tpu.dma_semaphore, #tpu.memory_space<semaphore_mem>>) src(%dma_wait3A_416 : memref<1000000x32xf32, #tpu.memory_space<hbm>>) dst(%dma_wait3A_412 : memref<128x32xf32, #tpu.memory_space<vmem>>)
      %mul3A_417 = arith.constant 200 : i32
      %mul3A_418 = arith.muli %add3A_407, %mul3A_417 : i32
      %add3A_419 = arith.constant 128 : i32
      %add3A_420 = arith.addi %mul3A_418, %add3A_419 : i32
      %dma_wait3A_421 = arith.constant 128 : i32
      %dma_wait3A_422 = arith.constant 0 : i32
      %dma_wait3A_423 = tpu.memref_slice %arg13[%dma_wait3A_421, %dma_wait3A_422] : memref<200x32xf32, #tpu.memory_space<vmem>> -> memref<72x32xf32, #tpu.memory_space<vmem>>
      %dma_wait3A_424 = tpu.memref_slice %arg5[%add3A_420] : memref<25600xi32, #tpu.memory_space<vmem>> -> memref<72xi32, #tpu.memory_space<vmem>>
      %dma_wait3A_425 = arith.constant 0 : i32
      %dma_wait3A_426 = arith.constant 0 : i32
      %dma_wait3A_427 = tpu.memref_slice %arg3[%dma_wait3A_425, %dma_wait3A_426] : memref<1000000x32xf32, #tpu.memory_space<hbm>> -> memref<1000000x32xf32, #tpu.memory_space<hbm>>
      tpu.wait_indirect_dma semaphore(%arg21 : memref<!tpu.dma_semaphore, #tpu.memory_space<semaphore_mem>>) src(%dma_wait3A_427 : memref<1000000x32xf32, #tpu.memory_space<hbm>>) dst(%dma_wait3A_423 : memref<72x32xf32, #tpu.memory_space<vmem>>)
      %scan3A_428 = arith.constant 0 : i32
      %scan3A_429 = arith.constant 200 : i32
      %scan3A_430 = arith.addi %scan3A_428, %scan3A_429 : i32
      %scan3A_431 = arith.constant 8 : i32
      %scan3A_432:2 = scf.for %scan3A_496 = %scan3A_428 to %scan3A_430 step %scan3A_431 iter_args(%scan3A_497 = %broadcast_in_dim3A_132, %scan3A_498 = %broadcast_in_dim3A_132) -> (vector<16xf32>, vector<16xf32>)  : i32 {
        %get3A = arith.index_cast %scan3A_496 : i32 to index
        %get3A_499 = arith.constant 0 : index
        %get3A_500 = tpu.vector_load %arg13[%get3A, %get3A_499] {strides = array<i32>} : memref<200x32xf32, #tpu.memory_space<vmem>>, vector<1x16xf32>,
        %get3A_501 = vector.shape_cast %get3A_500 : vector<1x16xf32> to vector<16xf32>
        %add3A_502 = arith.addf %scan3A_497, %get3A_501 : vector<16xf32>
        %get3A_503 = arith.index_cast %scan3A_496 : i32 to index
        %get3A_504 = arith.constant 16 : index
        %get3A_505 = tpu.vector_load %arg13[%get3A_503, %get3A_504] {strides = array<i32>} : memref<200x32xf32, #tpu.memory_space<vmem>>, vector<1x16xf32>,
        %get3A_506 = vector.shape_cast %get3A_505 : vector<1x16xf32> to vector<16xf32>
        %add3A_507 = arith.addf %scan3A_498, %get3A_506 : vector<16xf32>
        %scan3A_508 = arith.constant 1 : i32
        %scan3A_509 = arith.addi %scan3A_496, %scan3A_508 : i32
        %get3A_510 = arith.index_cast %scan3A_509 : i32 to index
        %get3A_511 = arith.constant 0 : index
        %get3A_512 = tpu.vector_load %arg13[%get3A_510, %get3A_511] {strides = array<i32>} : memref<200x32xf32, #tpu.memory_space<vmem>>, vector<1x16xf32>,
        %get3A_513 = vector.shape_cast %get3A_512 : vector<1x16xf32> to vector<16xf32>
        %add3A_514 = arith.addf %add3A_502, %get3A_513 : vector<16xf32>
        %get3A_515 = arith.index_cast %scan3A_509 : i32 to index
        %get3A_516 = arith.constant 16 : index
        %get3A_517 = tpu.vector_load %arg13[%get3A_515, %get3A_516] {strides = array<i32>} : memref<200x32xf32, #tpu.memory_space<vmem>>, vector<1x16xf32>,
        %get3A_518 = vector.shape_cast %get3A_517 : vector<1x16xf32> to vector<16xf32>
        %add3A_519 = arith.addf %add3A_507, %get3A_518 : vector<16xf32>
        %scan3A_520 = arith.constant 2 : i32
        %scan3A_521 = arith.addi %scan3A_496, %scan3A_520 : i32
        %get3A_522 = arith.index_cast %scan3A_521 : i32 to index
        %get3A_523 = arith.constant 0 : index
        %get3A_524 = tpu.vector_load %arg13[%get3A_522, %get3A_523] {strides = array<i32>} : memref<200x32xf32, #tpu.memory_space<vmem>>, vector<1x16xf32>,
        %get3A_525 = vector.shape_cast %get3A_524 : vector<1x16xf32> to vector<16xf32>
        %add3A_526 = arith.addf %add3A_514, %get3A_525 : vector<16xf32>
        %get3A_527 = arith.index_cast %scan3A_521 : i32 to index
        %get3A_528 = arith.constant 16 : index
        %get3A_529 = tpu.vector_load %arg13[%get3A_527, %get3A_528] {strides = array<i32>} : memref<200x32xf32, #tpu.memory_space<vmem>>, vector<1x16xf32>,
        %get3A_530 = vector.shape_cast %get3A_529 : vector<1x16xf32> to vector<16xf32>
        %add3A_531 = arith.addf %add3A_519, %get3A_530 : vector<16xf32>
        %scan3A_532 = arith.constant 3 : i32
        %scan3A_533 = arith.addi %scan3A_496, %scan3A_532 : i32
        %get3A_534 = arith.index_cast %scan3A_533 : i32 to index
        %get3A_535 = arith.constant 0 : index
        %get3A_536 = tpu.vector_load %arg13[%get3A_534, %get3A_535] {strides = array<i32>} : memref<200x32xf32, #tpu.memory_space<vmem>>, vector<1x16xf32>,
        %get3A_537 = vector.shape_cast %get3A_536 : vector<1x16xf32> to vector<16xf32>
        %add3A_538 = arith.addf %add3A_526, %get3A_537 : vector<16xf32>
        %get3A_539 = arith.index_cast %scan3A_533 : i32 to index
        %get3A_540 = arith.constant 16 : index
        %get3A_541 = tpu.vector_load %arg13[%get3A_539, %get3A_540] {strides = array<i32>} : memref<200x32xf32, #tpu.memory_space<vmem>>, vector<1x16xf32>,
        %get3A_542 = vector.shape_cast %get3A_541 : vector<1x16xf32> to vector<16xf32>
        %add3A_543 = arith.addf %add3A_531, %get3A_542 : vector<16xf32>
        %scan3A_544 = arith.constant 4 : i32
        %scan3A_545 = arith.addi %scan3A_496, %scan3A_544 : i32
        %get3A_546 = arith.index_cast %scan3A_545 : i32 to index
        %get3A_547 = arith.constant 0 : index
        %get3A_548 = tpu.vector_load %arg13[%get3A_546, %get3A_547] {strides = array<i32>} : memref<200x32xf32, #tpu.memory_space<vmem>>, vector<1x16xf32>,
        %get3A_549 = vector.shape_cast %get3A_548 : vector<1x16xf32> to vector<16xf32>
        %add3A_550 = arith.addf %add3A_538, %get3A_549 : vector<16xf32>
        %get3A_551 = arith.index_cast %scan3A_545 : i32 to index
        %get3A_552 = arith.constant 16 : index
        %get3A_553 = tpu.vector_load %arg13[%get3A_551, %get3A_552] {strides = array<i32>} : memref<200x32xf32, #tpu.memory_space<vmem>>, vector<1x16xf32>,
        %get3A_554 = vector.shape_cast %get3A_553 : vector<1x16xf32> to vector<16xf32>
        %add3A_555 = arith.addf %add3A_543, %get3A_554 : vector<16xf32>
        %scan3A_556 = arith.constant 5 : i32
        %scan3A_557 = arith.addi %scan3A_496, %scan3A_556 : i32
        %get3A_558 = arith.index_cast %scan3A_557 : i32 to index
        %get3A_559 = arith.constant 0 : index
        %get3A_560 = tpu.vector_load %arg13[%get3A_558, %get3A_559] {strides = array<i32>} : memref<200x32xf32, #tpu.memory_space<vmem>>, vector<1x16xf32>,
        %get3A_561 = vector.shape_cast %get3A_560 : vector<1x16xf32> to vector<16xf32>
        %add3A_562 = arith.addf %add3A_550, %get3A_561 : vector<16xf32>
        %get3A_563 = arith.index_cast %scan3A_557 : i32 to index
        %get3A_564 = arith.constant 16 : index
        %get3A_565 = tpu.vector_load %arg13[%get3A_563, %get3A_564] {strides = array<i32>} : memref<200x32xf32, #tpu.memory_space<vmem>>, vector<1x16xf32>,
        %get3A_566 = vector.shape_cast %get3A_565 : vector<1x16xf32> to vector<16xf32>
        %add3A_567 = arith.addf %add3A_555, %get3A_566 : vector<16xf32>
        %scan3A_568 = arith.constant 6 : i32
        %scan3A_569 = arith.addi %scan3A_496, %scan3A_568 : i32
        %get3A_570 = arith.index_cast %scan3A_569 : i32 to index
        %get3A_571 = arith.constant 0 : index
        %get3A_572 = tpu.vector_load %arg13[%get3A_570, %get3A_571] {strides = array<i32>} : memref<200x32xf32, #tpu.memory_space<vmem>>, vector<1x16xf32>,
        %get3A_573 = vector.shape_cast %get3A_572 : vector<1x16xf32> to vector<16xf32>
        %add3A_574 = arith.addf %add3A_562, %get3A_573 : vector<16xf32>
        %get3A_575 = arith.index_cast %scan3A_569 : i32 to index
        %get3A_576 = arith.constant 16 : index
        %get3A_577 = tpu.vector_load %arg13[%get3A_575, %get3A_576] {strides = array<i32>} : memref<200x32xf32, #tpu.memory_space<vmem>>, vector<1x16xf32>,
        %get3A_578 = vector.shape_cast %get3A_577 : vector<1x16xf32> to vector<16xf32>
        %add3A_579 = arith.addf %add3A_567, %get3A_578 : vector<16xf32>
        %scan3A_580 = arith.constant 7 : i32
        %scan3A_581 = arith.addi %scan3A_496, %scan3A_580 : i32
        %get3A_582 = arith.index_cast %scan3A_581 : i32 to index
        %get3A_583 = arith.constant 0 : index
        %get3A_584 = tpu.vector_load %arg13[%get3A_582, %get3A_583] {strides = array<i32>} : memref<200x32xf32, #tpu.memory_space<vmem>>, vector<1x16xf32>,
        %get3A_585 = vector.shape_cast %get3A_584 : vector<1x16xf32> to vector<16xf32>
        %add3A_586 = arith.addf %add3A_574, %get3A_585 : vector<16xf32>
        %get3A_587 = arith.index_cast %scan3A_581 : i32 to index
        %get3A_588 = arith.constant 16 : index
        %get3A_589 = tpu.vector_load %arg13[%get3A_587, %get3A_588] {strides = array<i32>} : memref<200x32xf32, #tpu.memory_space<vmem>>, vector<1x16xf32>,
        %get3A_590 = vector.shape_cast %get3A_589 : vector<1x16xf32> to vector<16xf32>
        %add3A_591 = arith.addf %add3A_579, %get3A_590 : vector<16xf32>
        scf.yield %add3A_586, %add3A_591 : vector<16xf32>, vector<16xf32>
      }
      %scan3A_433 = arith.constant 200 : i32
      %swap3A_434 = arith.index_cast %add3A_407 : i32 to index
      %swap3A_435 = arith.constant 0 : index
      %swap3A_436 = tpu.vector_load %arg6[%swap3A_434, %swap3A_435] {strides = array<i32>} : memref<128x32xf32, #tpu.memory_space<vmem>>, vector<1x16xf32>,
      %swap3A_437 = vector.shape_cast %swap3A_436 : vector<1x16xf32> to vector<16xf32>
      %swap3A_438 = vector.shape_cast %scan3A_432#0 : vector<16xf32> to vector<1x16xf32>
      tpu.vector_store %arg6[%swap3A_434, %swap3A_435], %swap3A_438 {strides = array<i32>} : memref<128x32xf32, #tpu.memory_space<vmem>>, vector<1x16xf32>,
      %swap3A_439 = arith.index_cast %add3A_407 : i32 to index
      %swap3A_440 = arith.constant 16 : index
      %swap3A_441 = tpu.vector_load %arg6[%swap3A_439, %swap3A_440] {strides = array<i32>} : memref<128x32xf32, #tpu.memory_space<vmem>>, vector<1x16xf32>,
      %swap3A_442 = vector.shape_cast %swap3A_441 : vector<1x16xf32> to vector<16xf32>
      %swap3A_443 = vector.shape_cast %scan3A_432#1 : vector<16xf32> to vector<1x16xf32>
      tpu.vector_store %arg6[%swap3A_439, %swap3A_440], %swap3A_443 {strides = array<i32>} : memref<128x32xf32, #tpu.memory_space<vmem>>, vector<1x16xf32>,
      %add3A_444 = arith.constant 8 : i32
      %add3A_445 = arith.addi %add3A_407, %add3A_444 : i32
      %lt3A_446 = arith.constant 128 : i32
      %lt3A_447 = arith.cmpi slt, %add3A_445, %lt3A_446 : i32
      %convert_element_type3A_448 = arith.extui %lt3A_447 : i1 to i32
      %cond3A_449 = arith.constant 0 : i32
      %cond3A_450 = arith.cmpi ne, %convert_element_type3A_448, %cond3A_449 : i32
      scf.if %cond3A_450 {
        %add3A_496 = arith.constant 8 : i32
        %add3A_497 = arith.addi %add3A_407, %add3A_496 : i32
        %mul3A_498 = arith.constant 200 : i32
        %mul3A_499 = arith.muli %add3A_497, %mul3A_498 : i32
        %dma_start3A_500 = arith.constant 0 : i32
        %dma_start3A_501 = arith.constant 0 : i32
        %dma_start3A_502 = tpu.memref_slice %arg13[%dma_start3A_500, %dma_start3A_501] : memref<200x32xf32, #tpu.memory_space<vmem>> -> memref<128x32xf32, #tpu.memory_space<vmem>>
        %dma_start3A_503 = tpu.memref_slice %arg5[%mul3A_499] : memref<25600xi32, #tpu.memory_space<vmem>> -> memref<128xi32, #tpu.memory_space<vmem>>
        %dma_start3A_504 = arith.constant 0 : i32
        %dma_start3A_505 = arith.constant 0 : i32
        %dma_start3A_506 = tpu.memref_slice %arg3[%dma_start3A_504, %dma_start3A_505] : memref<1000000x32xf32, #tpu.memory_space<hbm>> -> memref<1000000x32xf32, #tpu.memory_space<hbm>>
        tpu.enqueue_indirect_dma source(%dma_start3A_506 : memref<1000000x32xf32, #tpu.memory_space<hbm>>) target(%dma_start3A_502 : memref<128x32xf32, #tpu.memory_space<vmem>>) offsets(%dma_start3A_503 : memref<128xi32, #tpu.memory_space<vmem>>) semaphore(%arg21 : memref<!tpu.dma_semaphore, #tpu.memory_space<semaphore_mem>>)
        %mul3A_507 = arith.constant 200 : i32
        %mul3A_508 = arith.muli %add3A_497, %mul3A_507 : i32
        %add3A_509 = arith.constant 128 : i32
        %add3A_510 = arith.addi %mul3A_508, %add3A_509 : i32
        %dma_start3A_511 = arith.constant 128 : i32
        %dma_start3A_512 = arith.constant 0 : i32
        %dma_start3A_513 = tpu.memref_slice %arg13[%dma_start3A_511, %dma_start3A_512] : memref<200x32xf32, #tpu.memory_space<vmem>> -> memref<72x32xf32, #tpu.memory_space<vmem>>
        %dma_start3A_514 = tpu.memref_slice %arg5[%add3A_510] : memref<25600xi32, #tpu.memory_space<vmem>> -> memref<72xi32, #tpu.memory_space<vmem>>
        %dma_start3A_515 = arith.constant 0 : i32
        %dma_start3A_516 = arith.constant 0 : i32
        %dma_start3A_517 = tpu.memref_slice %arg3[%dma_start3A_515, %dma_start3A_516] : memref<1000000x32xf32, #tpu.memory_space<hbm>> -> memref<1000000x32xf32, #tpu.memory_space<hbm>>
        tpu.enqueue_indirect_dma source(%dma_start3A_517 : memref<1000000x32xf32, #tpu.memory_space<hbm>>) target(%dma_start3A_513 : memref<72x32xf32, #tpu.memory_space<vmem>>) offsets(%dma_start3A_514 : memref<72xi32, #tpu.memory_space<vmem>>) semaphore(%arg21 : memref<!tpu.dma_semaphore, #tpu.memory_space<semaphore_mem>>)
      } else {
      }
      %add3A_451 = arith.constant 7 : i32
      %add3A_452 = arith.addi %mul3A_140, %add3A_451 : i32
      %mul3A_453 = arith.constant 200 : i32
      %mul3A_454 = arith.muli %add3A_452, %mul3A_453 : i32
      %dma_wait3A_455 = arith.constant 0 : i32
      %dma_wait3A_456 = arith.constant 0 : i32
      %dma_wait3A_457 = tpu.memref_slice %arg14[%dma_wait3A_455, %dma_wait3A_456] : memref<200x32xf32, #tpu.memory_space<vmem>> -> memref<128x32xf32, #tpu.memory_space<vmem>>
      %dma_wait3A_458 = tpu.memref_slice %arg5[%mul3A_454] : memref<25600xi32, #tpu.memory_space<vmem>> -> memref<128xi32, #tpu.memory_space<vmem>>
      %dma_wait3A_459 = arith.constant 0 : i32
      %dma_wait3A_460 = arith.constant 0 : i32
      %dma_wait3A_461 = tpu.memref_slice %arg3[%dma_wait3A_459, %dma_wait3A_460] : memref<1000000x32xf32, #tpu.memory_space<hbm>> -> memref<1000000x32xf32, #tpu.memory_space<hbm>>
      tpu.wait_indirect_dma semaphore(%arg22 : memref<!tpu.dma_semaphore, #tpu.memory_space<semaphore_mem>>) src(%dma_wait3A_461 : memref<1000000x32xf32, #tpu.memory_space<hbm>>) dst(%dma_wait3A_457 : memref<128x32xf32, #tpu.memory_space<vmem>>)
      %mul3A_462 = arith.constant 200 : i32
      %mul3A_463 = arith.muli %add3A_452, %mul3A_462 : i32
      %add3A_464 = arith.constant 128 : i32
      %add3A_465 = arith.addi %mul3A_463, %add3A_464 : i32
      %dma_wait3A_466 = arith.constant 128 : i32
      %dma_wait3A_467 = arith.constant 0 : i32
      %dma_wait3A_468 = tpu.memref_slice %arg14[%dma_wait3A_466, %dma_wait3A_467] : memref<200x32xf32, #tpu.memory_space<vmem>> -> memref<72x32xf32, #tpu.memory_space<vmem>>
      %dma_wait3A_469 = tpu.memref_slice %arg5[%add3A_465] : memref<25600xi32, #tpu.memory_space<vmem>> -> memref<72xi32, #tpu.memory_space<vmem>>
      %dma_wait3A_470 = arith.constant 0 : i32
      %dma_wait3A_471 = arith.constant 0 : i32
      %dma_wait3A_472 = tpu.memref_slice %arg3[%dma_wait3A_470, %dma_wait3A_471] : memref<1000000x32xf32, #tpu.memory_space<hbm>> -> memref<1000000x32xf32, #tpu.memory_space<hbm>>
      tpu.wait_indirect_dma semaphore(%arg22 : memref<!tpu.dma_semaphore, #tpu.memory_space<semaphore_mem>>) src(%dma_wait3A_472 : memref<1000000x32xf32, #tpu.memory_space<hbm>>) dst(%dma_wait3A_468 : memref<72x32xf32, #tpu.memory_space<vmem>>)
      %scan3A_473 = arith.constant 0 : i32
      %scan3A_474 = arith.constant 200 : i32
      %scan3A_475 = arith.addi %scan3A_473, %scan3A_474 : i32
      %scan3A_476 = arith.constant 8 : i32
      %scan3A_477:2 = scf.for %scan3A_496 = %scan3A_473 to %scan3A_475 step %scan3A_476 iter_args(%scan3A_497 = %broadcast_in_dim3A_132, %scan3A_498 = %broadcast_in_dim3A_132) -> (vector<16xf32>, vector<16xf32>)  : i32 {
        %get3A = arith.index_cast %scan3A_496 : i32 to index
        %get3A_499 = arith.constant 0 : index
        %get3A_500 = tpu.vector_load %arg14[%get3A, %get3A_499] {strides = array<i32>} : memref<200x32xf32, #tpu.memory_space<vmem>>, vector<1x16xf32>,
        %get3A_501 = vector.shape_cast %get3A_500 : vector<1x16xf32> to vector<16xf32>
        %add3A_502 = arith.addf %scan3A_497, %get3A_501 : vector<16xf32>
        %get3A_503 = arith.index_cast %scan3A_496 : i32 to index
        %get3A_504 = arith.constant 16 : index
        %get3A_505 = tpu.vector_load %arg14[%get3A_503, %get3A_504] {strides = array<i32>} : memref<200x32xf32, #tpu.memory_space<vmem>>, vector<1x16xf32>,
        %get3A_506 = vector.shape_cast %get3A_505 : vector<1x16xf32> to vector<16xf32>
        %add3A_507 = arith.addf %scan3A_498, %get3A_506 : vector<16xf32>
        %scan3A_508 = arith.constant 1 : i32
        %scan3A_509 = arith.addi %scan3A_496, %scan3A_508 : i32
        %get3A_510 = arith.index_cast %scan3A_509 : i32 to index
        %get3A_511 = arith.constant 0 : index
        %get3A_512 = tpu.vector_load %arg14[%get3A_510, %get3A_511] {strides = array<i32>} : memref<200x32xf32, #tpu.memory_space<vmem>>, vector<1x16xf32>,
        %get3A_513 = vector.shape_cast %get3A_512 : vector<1x16xf32> to vector<16xf32>
        %add3A_514 = arith.addf %add3A_502, %get3A_513 : vector<16xf32>
        %get3A_515 = arith.index_cast %scan3A_509 : i32 to index
        %get3A_516 = arith.constant 16 : index
        %get3A_517 = tpu.vector_load %arg14[%get3A_515, %get3A_516] {strides = array<i32>} : memref<200x32xf32, #tpu.memory_space<vmem>>, vector<1x16xf32>,
        %get3A_518 = vector.shape_cast %get3A_517 : vector<1x16xf32> to vector<16xf32>
        %add3A_519 = arith.addf %add3A_507, %get3A_518 : vector<16xf32>
        %scan3A_520 = arith.constant 2 : i32
        %scan3A_521 = arith.addi %scan3A_496, %scan3A_520 : i32
        %get3A_522 = arith.index_cast %scan3A_521 : i32 to index
        %get3A_523 = arith.constant 0 : index
        %get3A_524 = tpu.vector_load %arg14[%get3A_522, %get3A_523] {strides = array<i32>} : memref<200x32xf32, #tpu.memory_space<vmem>>, vector<1x16xf32>,
        %get3A_525 = vector.shape_cast %get3A_524 : vector<1x16xf32> to vector<16xf32>
        %add3A_526 = arith.addf %add3A_514, %get3A_525 : vector<16xf32>
        %get3A_527 = arith.index_cast %scan3A_521 : i32 to index
        %get3A_528 = arith.constant 16 : index
        %get3A_529 = tpu.vector_load %arg14[%get3A_527, %get3A_528] {strides = array<i32>} : memref<200x32xf32, #tpu.memory_space<vmem>>, vector<1x16xf32>,
        %get3A_530 = vector.shape_cast %get3A_529 : vector<1x16xf32> to vector<16xf32>
        %add3A_531 = arith.addf %add3A_519, %get3A_530 : vector<16xf32>
        %scan3A_532 = arith.constant 3 : i32
        %scan3A_533 = arith.addi %scan3A_496, %scan3A_532 : i32
        %get3A_534 = arith.index_cast %scan3A_533 : i32 to index
        %get3A_535 = arith.constant 0 : index
        %get3A_536 = tpu.vector_load %arg14[%get3A_534, %get3A_535] {strides = array<i32>} : memref<200x32xf32, #tpu.memory_space<vmem>>, vector<1x16xf32>,
        %get3A_537 = vector.shape_cast %get3A_536 : vector<1x16xf32> to vector<16xf32>
        %add3A_538 = arith.addf %add3A_526, %get3A_537 : vector<16xf32>
        %get3A_539 = arith.index_cast %scan3A_533 : i32 to index
        %get3A_540 = arith.constant 16 : index
        %get3A_541 = tpu.vector_load %arg14[%get3A_539, %get3A_540] {strides = array<i32>} : memref<200x32xf32, #tpu.memory_space<vmem>>, vector<1x16xf32>,
        %get3A_542 = vector.shape_cast %get3A_541 : vector<1x16xf32> to vector<16xf32>
        %add3A_543 = arith.addf %add3A_531, %get3A_542 : vector<16xf32>
        %scan3A_544 = arith.constant 4 : i32
        %scan3A_545 = arith.addi %scan3A_496, %scan3A_544 : i32
        %get3A_546 = arith.index_cast %scan3A_545 : i32 to index
        %get3A_547 = arith.constant 0 : index
        %get3A_548 = tpu.vector_load %arg14[%get3A_546, %get3A_547] {strides = array<i32>} : memref<200x32xf32, #tpu.memory_space<vmem>>, vector<1x16xf32>,
        %get3A_549 = vector.shape_cast %get3A_548 : vector<1x16xf32> to vector<16xf32>
        %add3A_550 = arith.addf %add3A_538, %get3A_549 : vector<16xf32>
        %get3A_551 = arith.index_cast %scan3A_545 : i32 to index
        %get3A_552 = arith.constant 16 : index
        %get3A_553 = tpu.vector_load %arg14[%get3A_551, %get3A_552] {strides = array<i32>} : memref<200x32xf32, #tpu.memory_space<vmem>>, vector<1x16xf32>,
        %get3A_554 = vector.shape_cast %get3A_553 : vector<1x16xf32> to vector<16xf32>
        %add3A_555 = arith.addf %add3A_543, %get3A_554 : vector<16xf32>
        %scan3A_556 = arith.constant 5 : i32
        %scan3A_557 = arith.addi %scan3A_496, %scan3A_556 : i32
        %get3A_558 = arith.index_cast %scan3A_557 : i32 to index
        %get3A_559 = arith.constant 0 : index
        %get3A_560 = tpu.vector_load %arg14[%get3A_558, %get3A_559] {strides = array<i32>} : memref<200x32xf32, #tpu.memory_space<vmem>>, vector<1x16xf32>,
        %get3A_561 = vector.shape_cast %get3A_560 : vector<1x16xf32> to vector<16xf32>
        %add3A_562 = arith.addf %add3A_550, %get3A_561 : vector<16xf32>
        %get3A_563 = arith.index_cast %scan3A_557 : i32 to index
        %get3A_564 = arith.constant 16 : index
        %get3A_565 = tpu.vector_load %arg14[%get3A_563, %get3A_564] {strides = array<i32>} : memref<200x32xf32, #tpu.memory_space<vmem>>, vector<1x16xf32>,
        %get3A_566 = vector.shape_cast %get3A_565 : vector<1x16xf32> to vector<16xf32>
        %add3A_567 = arith.addf %add3A_555, %get3A_566 : vector<16xf32>
        %scan3A_568 = arith.constant 6 : i32
        %scan3A_569 = arith.addi %scan3A_496, %scan3A_568 : i32
        %get3A_570 = arith.index_cast %scan3A_569 : i32 to index
        %get3A_571 = arith.constant 0 : index
        %get3A_572 = tpu.vector_load %arg14[%get3A_570, %get3A_571] {strides = array<i32>} : memref<200x32xf32, #tpu.memory_space<vmem>>, vector<1x16xf32>,
        %get3A_573 = vector.shape_cast %get3A_572 : vector<1x16xf32> to vector<16xf32>
        %add3A_574 = arith.addf %add3A_562, %get3A_573 : vector<16xf32>
        %get3A_575 = arith.index_cast %scan3A_569 : i32 to index
        %get3A_576 = arith.constant 16 : index
        %get3A_577 = tpu.vector_load %arg14[%get3A_575, %get3A_576] {strides = array<i32>} : memref<200x32xf32, #tpu.memory_space<vmem>>, vector<1x16xf32>,
        %get3A_578 = vector.shape_cast %get3A_577 : vector<1x16xf32> to vector<16xf32>
        %add3A_579 = arith.addf %add3A_567, %get3A_578 : vector<16xf32>
        %scan3A_580 = arith.constant 7 : i32
        %scan3A_581 = arith.addi %scan3A_496, %scan3A_580 : i32
        %get3A_582 = arith.index_cast %scan3A_581 : i32 to index
        %get3A_583 = arith.constant 0 : index
        %get3A_584 = tpu.vector_load %arg14[%get3A_582, %get3A_583] {strides = array<i32>} : memref<200x32xf32, #tpu.memory_space<vmem>>, vector<1x16xf32>,
        %get3A_585 = vector.shape_cast %get3A_584 : vector<1x16xf32> to vector<16xf32>
        %add3A_586 = arith.addf %add3A_574, %get3A_585 : vector<16xf32>
        %get3A_587 = arith.index_cast %scan3A_581 : i32 to index
        %get3A_588 = arith.constant 16 : index
        %get3A_589 = tpu.vector_load %arg14[%get3A_587, %get3A_588] {strides = array<i32>} : memref<200x32xf32, #tpu.memory_space<vmem>>, vector<1x16xf32>,
        %get3A_590 = vector.shape_cast %get3A_589 : vector<1x16xf32> to vector<16xf32>
        %add3A_591 = arith.addf %add3A_579, %get3A_590 : vector<16xf32>
        scf.yield %add3A_586, %add3A_591 : vector<16xf32>, vector<16xf32>
      }
      %scan3A_478 = arith.constant 200 : i32
      %swap3A_479 = arith.index_cast %add3A_452 : i32 to index
      %swap3A_480 = arith.constant 0 : index
      %swap3A_481 = tpu.vector_load %arg6[%swap3A_479, %swap3A_480] {strides = array<i32>} : memref<128x32xf32, #tpu.memory_space<vmem>>, vector<1x16xf32>,
      %swap3A_482 = vector.shape_cast %swap3A_481 : vector<1x16xf32> to vector<16xf32>
      %swap3A_483 = vector.shape_cast %scan3A_477#0 : vector<16xf32> to vector<1x16xf32>
      tpu.vector_store %arg6[%swap3A_479, %swap3A_480], %swap3A_483 {strides = array<i32>} : memref<128x32xf32, #tpu.memory_space<vmem>>, vector<1x16xf32>,
      %swap3A_484 = arith.index_cast %add3A_452 : i32 to index
      %swap3A_485 = arith.constant 16 : index
      %swap3A_486 = tpu.vector_load %arg6[%swap3A_484, %swap3A_485] {strides = array<i32>} : memref<128x32xf32, #tpu.memory_space<vmem>>, vector<1x16xf32>,
      %swap3A_487 = vector.shape_cast %swap3A_486 : vector<1x16xf32> to vector<16xf32>
      %swap3A_488 = vector.shape_cast %scan3A_477#1 : vector<16xf32> to vector<1x16xf32>
      tpu.vector_store %arg6[%swap3A_484, %swap3A_485], %swap3A_488 {strides = array<i32>} : memref<128x32xf32, #tpu.memory_space<vmem>>, vector<1x16xf32>,
      %add3A_489 = arith.constant 8 : i32
      %add3A_490 = arith.addi %add3A_452, %add3A_489 : i32
      %lt3A_491 = arith.constant 128 : i32
      %lt3A_492 = arith.cmpi slt, %add3A_490, %lt3A_491 : i32
      %convert_element_type3A_493 = arith.extui %lt3A_492 : i1 to i32
      %cond3A_494 = arith.constant 0 : i32
      %cond3A_495 = arith.cmpi ne, %convert_element_type3A_493, %cond3A_494 : i32
      scf.if %cond3A_495 {
        %add3A_496 = arith.constant 8 : i32
        %add3A_497 = arith.addi %add3A_452, %add3A_496 : i32
        %mul3A_498 = arith.constant 200 : i32
        %mul3A_499 = arith.muli %add3A_497, %mul3A_498 : i32
        %dma_start3A_500 = arith.constant 0 : i32
        %dma_start3A_501 = arith.constant 0 : i32
        %dma_start3A_502 = tpu.memref_slice %arg14[%dma_start3A_500, %dma_start3A_501] : memref<200x32xf32, #tpu.memory_space<vmem>> -> memref<128x32xf32, #tpu.memory_space<vmem>>
        %dma_start3A_503 = tpu.memref_slice %arg5[%mul3A_499] : memref<25600xi32, #tpu.memory_space<vmem>> -> memref<128xi32, #tpu.memory_space<vmem>>
        %dma_start3A_504 = arith.constant 0 : i32
        %dma_start3A_505 = arith.constant 0 : i32
        %dma_start3A_506 = tpu.memref_slice %arg3[%dma_start3A_504, %dma_start3A_505] : memref<1000000x32xf32, #tpu.memory_space<hbm>> -> memref<1000000x32xf32, #tpu.memory_space<hbm>>
        tpu.enqueue_indirect_dma source(%dma_start3A_506 : memref<1000000x32xf32, #tpu.memory_space<hbm>>) target(%dma_start3A_502 : memref<128x32xf32, #tpu.memory_space<vmem>>) offsets(%dma_start3A_503 : memref<128xi32, #tpu.memory_space<vmem>>) semaphore(%arg22 : memref<!tpu.dma_semaphore, #tpu.memory_space<semaphore_mem>>)
        %mul3A_507 = arith.constant 200 : i32
        %mul3A_508 = arith.muli %add3A_497, %mul3A_507 : i32
        %add3A_509 = arith.constant 128 : i32
        %add3A_510 = arith.addi %mul3A_508, %add3A_509 : i32
        %dma_start3A_511 = arith.constant 128 : i32
        %dma_start3A_512 = arith.constant 0 : i32
        %dma_start3A_513 = tpu.memref_slice %arg14[%dma_start3A_511, %dma_start3A_512] : memref<200x32xf32, #tpu.memory_space<vmem>> -> memref<72x32xf32, #tpu.memory_space<vmem>>
        %dma_start3A_514 = tpu.memref_slice %arg5[%add3A_510] : memref<25600xi32, #tpu.memory_space<vmem>> -> memref<72xi32, #tpu.memory_space<vmem>>
        %dma_start3A_515 = arith.constant 0 : i32
        %dma_start3A_516 = arith.constant 0 : i32
        %dma_start3A_517 = tpu.memref_slice %arg3[%dma_start3A_515, %dma_start3A_516] : memref<1000000x32xf32, #tpu.memory_space<hbm>> -> memref<1000000x32xf32, #tpu.memory_space<hbm>>
        tpu.enqueue_indirect_dma source(%dma_start3A_517 : memref<1000000x32xf32, #tpu.memory_space<hbm>>) target(%dma_start3A_513 : memref<72x32xf32, #tpu.memory_space<vmem>>) offsets(%dma_start3A_514 : memref<72xi32, #tpu.memory_space<vmem>>) semaphore(%arg22 : memref<!tpu.dma_semaphore, #tpu.memory_space<semaphore_mem>>)
      } else {
      }
    }
    %scan3A_137 = arith.constant 16 : i32
    "tpu.region"() ({
      %run_scoped3A = tpu.sem_alloc : memref<!tpu.dma_semaphore, #tpu.memory_space<semaphore_mem>>
      %dma_start3A_138 = arith.constant 0 : i32
      %dma_start3A_139 = tpu.memref_slice %arg4[%mul3A_2, %dma_start3A_138] : memref<4096x32xf32, #tpu.memory_space<hbm>> -> memref<128x32xf32, #tpu.memory_space<hbm>>
      %dma_start3A_140 = arith.constant 0 : i32
      %dma_start3A_141 = tpu.memref_slice %arg4[%mul3A_2, %dma_start3A_140] : memref<4096x32xf32, #tpu.memory_space<hbm>> -> memref<128x32xf32, #tpu.memory_space<hbm>>
      tpu.enqueue_dma source(%arg6 : memref<128x32xf32, #tpu.memory_space<vmem>>) target(%dma_start3A_141 : memref<128x32xf32, #tpu.memory_space<hbm>>) target_semaphore(%run_scoped3A : memref<!tpu.dma_semaphore, #tpu.memory_space<semaphore_mem>>)
      %dma_wait3A = arith.constant 0 : i32
      %dma_wait3A_142 = tpu.memref_slice %arg4[%mul3A_2, %dma_wait3A] : memref<4096x32xf32, #tpu.memory_space<hbm>> -> memref<128x32xf32, #tpu.memory_space<hbm>>
      %dma_wait3A_143 = arith.constant 0 : i32
      %dma_wait3A_144 = tpu.memref_slice %arg4[%mul3A_2, %dma_wait3A_143] : memref<4096x32xf32, #tpu.memory_space<hbm>> -> memref<128x32xf32, #tpu.memory_space<hbm>>
      tpu.wait_dma2 semaphore(%run_scoped3A : memref<!tpu.dma_semaphore, #tpu.memory_space<semaphore_mem>>) src(%arg6 : memref<128x32xf32, #tpu.memory_space<vmem>>) dst(%dma_wait3A_144 : memref<128x32xf32, #tpu.memory_space<hbm>>)
      tpu.yield
    }) : () -> ()
    return
  }
}

module attributes {stable_mosaic.version = 14 : i64} {
  func.func @body(%arg0: memref<4096x32xf32, #tpu.memory_space<vmem>>, %arg1: memref<4096x1xi32, #tpu.memory_space<vmem>>, %arg2: memref<32x10xf32, #tpu.memory_space<vmem>>, %arg3: memref<1x10xf32, #tpu.memory_space<vmem>>, %arg4: memref<4096x10xf32, #tpu.memory_space<vmem>>) attributes {dimension_semantics = [], scalar_prefetch = 0 : i64, scratch_operands = 0 : i64, tpu.core_type = #tpu.core_type<tc>} {
    %get3A = arith.constant 0 : index
    %get3A_0 = arith.constant 0 : index
    %get3A_1 = vector.load %arg1[%get3A, %get3A_0] : memref<4096x1xi32, #tpu.memory_space<vmem>>, vector<4096x1xi32>
    %convert_element_type3A = arith.sitofp %get3A_1 : vector<4096x1xi32> to vector<4096x1xf32>
    %max3A = arith.constant 1.000000e+00 : f32
    %max3A_2 = vector.broadcast %max3A : f32 to vector<4096x1xf32>
    %max3A_3 = arith.maximumf %convert_element_type3A, %max3A_2 : vector<4096x1xf32>
    %get3A_4 = arith.constant 0 : index
    %get3A_5 = arith.constant 0 : index
    %get3A_6 = vector.load %arg0[%get3A_4, %get3A_5] : memref<4096x32xf32, #tpu.memory_space<vmem>>, vector<4096x32xf32>
    %div3A = vector.broadcast %max3A_3 : vector<4096x1xf32> to vector<4096x32xf32>
    %div3A_7 = arith.divf %get3A_6, %div3A : vector<4096x32xf32>
    %get3A_8 = arith.constant 0 : index
    %get3A_9 = arith.constant 0 : index
    %get3A_10 = vector.load %arg2[%get3A_8, %get3A_9] : memref<32x10xf32, #tpu.memory_space<vmem>>, vector<32x10xf32>
    %dot_general3A = arith.constant dense<0.000000e+00> : vector<4096x10xf32>
    %dot_general3A_11 = tpu.matmul %div3A_7, %get3A_10, %dot_general3A {dimension_numbers = #tpu.dot_dimension_numbers<[1], [0], [0], [1], [0, 0, 1, 1], [], []>, transpose_lhs_hint = false} : vector<4096x32xf32>, vector<32x10xf32>, vector<4096x10xf32> -> vector<4096x10xf32>
    %get3A_12 = arith.constant 0 : index
    %get3A_13 = arith.constant 0 : index
    %get3A_14 = vector.load %arg3[%get3A_12, %get3A_13] : memref<1x10xf32, #tpu.memory_space<vmem>>, vector<1x10xf32>
    %add3A = vector.broadcast %get3A_14 : vector<1x10xf32> to vector<4096x10xf32>
    %add3A_15 = arith.addf %dot_general3A_11, %add3A : vector<4096x10xf32>
    %swap3A = arith.constant 0 : index
    %swap3A_16 = arith.constant 0 : index
    %swap3A_17 = vector.load %arg4[%swap3A, %swap3A_16] : memref<4096x10xf32, #tpu.memory_space<vmem>>, vector<4096x10xf32>
    tpu.vector_store %arg4[%swap3A, %swap3A_16], %add3A_15 {strides = array<i32>} : memref<4096x10xf32, #tpu.memory_space<vmem>>, vector<4096x10xf32>,
    return
  }
}

</mosaic_0001>

<sc_bundles>
// kernel: kernel.4.cloned.1.call-start
scs
__scs_entry_jumppad:
0x0: {  	(pc) =	sbr.rel $0x88, $3  }
0x1: {  	(tag) =	ssettag $0x0;
	lr =	simm.s32 $0x1  }
0x2: {  	[smem:$0x3F9C] =	sst lr;
	_ =	strace $0xD0000000  }
0x3: {  	_ = 	snop  }
0x4: {  	_ = 	snop  }
0x5: {  	_ = 	snop  }
0x6: {  	_ = 	snop  }
0x7: {  	_ = 	snop  }
__scs_overlays_trampoline_lowered:
0x8: {  	[smem:$0x3FAB] =	sst s0  }
0x9: {  	[smem:$0x3FAC] =	sst s1  }
0xa: {  	[smem:$0x3FAD] =	sst s2  }
0xb: {  	[smem:$0x3FAE] =	sst s3  }
0xc: {  	[smem:$0x3FAF] =	sst s4  }
0xd: {  	[smem:$0x3FB0] =	sst s5  }
0xe: {  	[smem:$0x3FB1] =	sst s6  }
0xf: {  	[smem:$0x3FB2] =	sst s7  }
0x10: {  	[smem:$0x3FB3] =	sst s8  }
0x11: {  	[smem:$0x3FB4] =	sst s9;
	s0 =	simm.s32 @!p0 $0x0  }
0x12: {  	s1 =	sld [smem:$0x3F9A];
	s0 =	simm.s32 @p0 $0x1  }
0x13: {  	[smem:$0x3FB5] =	sst s0;
	s0 =	simm.s32 @!p1 $0x0  }
0x14: {  	s2 =	sld [smem:$0x3F99];
	s0 =	simm.s32 @p1 $0x1  }
0x15: {  	[smem:$0x3FB6] =	sst s0;
	s0 =	simm.s32 @!p2 $0x0  }
0x16: {  	s3 =	sld [smem:$0x3FDB];
	s0 =	simm.s32 @p2 $0x1  }
0x17: {  	s4 =	simm.s32 $0x1BF5;
	[smem:$0x3FB8] =	sst s0  }
0x18: {  	s0 =	sld [smem:$0x3F9B];
	_ =	swait.ge [sflag:s4], $0x0  }
0x19: {  	s7 =	sld [smem:$0x3F9C]  }
0x1a: {  	s8 =	sadd.s32 $0xFFFFE003, lr  }
0x1b: {  	s9 =	sadd.s32 $0xFFFFFEF7, lr;
	s5 =	simm.s32 $0xFFFFFFFF;
	p2 =	slt.u32 s8, $0xFFFFF086  }
0x1c: {  	p1 =	slt.u32 s9, $0xF7A;
	s5 =	simm.s32 @!p2 $0x0  }
0x1d: {  	s5 =	simm.s32 @p1 $0x1;
	p0 =	seq.s32 s7, s2  }
0x1e: {  	s7 =	smul.u32 @!p0 $0xF7A, s2;
	p2 =	seq.s32 @!p0 s5, $0x0  }
0x1f: {  	s9 =	smul.u32 $0xF7A, s1;
	s8 =	simm.s32 @!p0 $0x1BF5;
	p2 =	por !p2, p0  }
0x20: {  	[sflag:s8] =	ssyncset.s32 @!p0 $0xFFFFF086;
	s6 =	sadd.s32 @!p0 s3, s7;
	s7 =	simm.s32 @!p0 $0x108  }
0x21: {  	s3 =	sadd.s32 s3, s9;
	s6 =	sadd.s32 @!p0 $0x88, s6;
	s7 =	simm.s32 @p2 $0x1082  }
0x22: {  	[simem:s7], [sflag:s8] =	dma.local @!p0 [hbm:s6], $0xF7A  }
0x23: {  	s9 =	sor.u32 $0xD0000000, s2;
	s6 =	simm.s32 $0x108;
	_ =	swait.ge @!p0 [sflag:s8], $0x0  }
0x24: {  	s3 =	sadd.s32 $0x88, s3;
	s6 =	simm.s32 @!p1 $0x1082;
	[sflag:s4] =	ssyncset.s32 $0xFFFFF086  }
0x25: {  	[simem:s6], [sflag:s4] =	dma.local [hbm:s3], $0xF7A  }
0x26: {  	[smem:$0x3F9C] =	sst s1;
	(tag) =	ssettag s2;
	_ =	strace s9  }
0x27: {  	s1 =	sld [smem:$0x3FAC]  }
0x28: {  	s2 =	sld [smem:$0x3FAD]  }
0x29: {  	s4 =	sld [smem:$0x3FAF]  }
0x2a: {  	p0 =	seq.s32 s5, $0x0;
	s5 =	sld [smem:$0x3FB0]  }
0x2b: {  	s6 =	sld [smem:$0x3FB1]  }
0x2c: {  	s7 =	sld [smem:$0x3FB2]  }
0x2d: {  	s3 =	simm.s32 $0x108;
	s8 =	sld [smem:$0x3FB3]  }
0x2e: {  	s3 =	simm.s32 @!p0 $0x1082;
	s9 =	sld [smem:$0x3FB4]  }
0x2f: {  	lr =	sadd.s32 s0, s3;
	s0 =	sld [smem:$0x3FAB]  }
0x30: {  	s3 =	sld [smem:$0x3FAE]  }
0x31: {  	[smem:$0x3FB7] =	sst s10  }
0x32: {  	s10 =	sld [smem:$0x3FB5];
	_ =	sdelay $0x3  }
0x33: {  	p0 =	seq.s32 s10, $0x1;
	s10 =	sld [smem:$0x3FB7];
	_ =	sdelay $0x3  }
0x34: {  	[smem:$0x3FB7] =	sst s10  }
0x35: {  	s10 =	sld [smem:$0x3FB6];
	_ =	sdelay $0x3  }
0x36: {  	p1 =	seq.s32 s10, $0x1;
	s10 =	sld [smem:$0x3FB7];
	_ =	sdelay $0x3  }
0x37: {  	[smem:$0x3FB7] =	sst s10  }
0x38: {  	s10 =	sld [smem:$0x3FB8]  }
0x39: {  	_ = 	snop;
	(pc) =	sbr.ind lr, $3  }
0x3a: {  	_ = 	snop  }
0x3b: {  	_ = 	snop  }
0x3c: {  	p2 =	seq.s32 s10, $0x1;
	s10 =	sld [smem:$0x3FB7]  }
0x3d: {  	_ =	shalt  }
0x3e: {  	_ =	shalt  }
0x3f: {  	_ =	shalt  }
0x40: {  	_ =	shalt  }
0x41: {  	_ =	shalt  }
0x42: {  	_ =	shalt  }
0x43: {  	_ =	shalt  }
0x44: {  	_ =	shalt  }
0x45: {  	_ =	shalt  }
0x46: {  	_ =	shalt  }
0x47: {  	_ =	shalt  }
0x48: {  	_ =	shalt  }
0x49: {  	_ =	shalt  }
0x4a: {  	_ =	shalt  }
0x4b: {  	_ =	shalt  }
0x4c: {  	_ =	shalt  }
0x4d: {  	_ =	shalt  }
0x4e: {  	_ =	shalt  }
0x4f: {  	_ =	shalt  }
0x50: {  	_ =	shalt  }
0x51: {  	_ =	shalt  }
0x52: {  	_ =	shalt  }
0x53: {  	_ =	shalt  }
0x54: {  	_ =	shalt  }
0x55: {  	_ =	shalt  }
0x56: {  	_ =	shalt  }
0x57: {  	_ =	shalt  }
0x58: {  	_ =	shalt  }
0x59: {  	_ =	shalt  }
0x5a: {  	_ =	shalt  }
0x5b: {  	_ =	shalt  }
0x5c: {  	_ =	shalt  }
0x5d: {  	_ =	shalt  }
0x5e: {  	_ =	shalt  }
0x5f: {  	_ =	shalt  }
0x60: {  	_ =	shalt  }
0x61: {  	_ =	shalt  }
0x62: {  	_ =	shalt  }
0x63: {  	_ =	shalt  }
0x64: {  	_ =	shalt  }
0x65: {  	_ =	shalt  }
0x66: {  	_ =	shalt  }
0x67: {  	_ =	shalt  }
0x68: {  	_ =	shalt  }
0x69: {  	_ =	shalt  }
0x6a: {  	_ =	shalt  }
0x6b: {  	_ =	shalt  }
0x6c: {  	_ =	shalt  }
0x6d: {  	_ =	shalt  }
0x6e: {  	_ =	shalt  }
0x6f: {  	_ =	shalt  }
0x70: {  	_ =	shalt  }
0x71: {  	_ =	shalt  }
0x72: {  	_ =	shalt  }
0x73: {  	_ =	shalt  }
0x74: {  	_ =	shalt  }
0x75: {  	_ =	shalt  }
0x76: {  	_ =	shalt  }
0x77: {  	_ =	shalt  }
0x78: {  	_ =	shalt  }
0x79: {  	_ =	shalt  }
0x7a: {  	_ =	shalt  }
0x7b: {  	_ =	shalt  }
0x7c: {  	_ =	shalt  }
0x7d: {  	_ =	shalt  }
0x7e: {  	_ =	shalt  }
0x7f: {  	_ =	shalt  }
0x80: {  	_ =	shalt  }
0x81: {  	_ =	shalt  }
0x82: {  	_ =	shalt  }
0x83: {  	_ =	shalt  }
0x84: {  	_ =	shalt  }
0x85: {  	_ =	shalt  }
0x86: {  	_ =	shalt  }
0x87: {  	_ =	shalt  }
.Lfunc_end0:
.L_simem_size_0:
called_computation_lowered:
.L_overlay_start_0:
0x88: {  	s2 =	sld [smem:$0x3FD9]  }
0x89: {  	s3 =	sld [smem:$0x3FFE];
	_ =	sdelay $0x1  }
0x8a: {  	s1 =	srdreg.scid  }
0x8b: {  	s0 =	sand.u32 $0x1, s1  }
0x8c: {  	s16 =	sshll.u32 s0, $0xA;
	s2 =	sadd.s32 s3, s2  }
0x8d: {  	s2 =	sadd.s32 s2, s16  }
0x8e: {  	[smem:$0x3FC3] =	sst s2  }
0x8f: {  	_ = 	snop  }
0x90: {  	(tm) =	ssettm $0x1  }
0x91: {  	s17 =	sld [smem:$0x3FFB];
	_ =	sdelay $0x3  }
0x92: {  	_ =	strace s17  }
0x93: {  	s2 =	sld [smem:$0x3FFC];
	_ =	sdelay $0x3  }
0x94: {  	_ =	strace s2  }
0x95: {  	s2 =	sld [smem:$0x3FFD];
	_ =	sdelay $0x3  }
0x96: {  	_ =	strace s2  }
0x97: {  	_ =	strace $0x8FFFFFFF  }
0x98: {  	s18 =	sld [smem:$0x3FDB];
	_ =	sdelay $0x1  }
0x99: {  	s19 =	simm.s32 $_scs_section_size  }
0x9a: {  	s4 =	simm.s32 $_size__tile_overlayer_lowered;
	s5 =	simm.s32 $_tile_overlayer_lowered  }
0x9b: {  	s22 =	simm.s32 $0x1BFF;
	s21 =	sshll.u32 s5, $0x1;
	s2 =	sadd.s32 s19, s18  }
0x9c: {  	s6 =	simm.s32 $0x0;
	s20 =	sshll.u32 s4, $0x1;
	s4 =	sadd.s32 s21, s2  }
0x9d: {  	[timem:s6], [sflag:s22] =	dma.local [hbm:s4], s20  }
0x9e: {  	_ =	swait.ge [sflag:s22], s20  }
0x9f: {  	s3 =	ssub.s32 $0x0, s20;
	[sflag:s22] =	ssyncset.done $0x0  }
0xa0: {  	[sflag:s22] =	ssyncadd.s32 s3;
	_ =	sdelay $0x1  }
0xa1: {  	s23 =	simm.s32 $0x1B8B  }
0xa2: {  	_ =	swait.ge [sflag:s23], $0x1  }
0xa3: {  	[sflag:s23] =	ssyncset.done $0x0  }
0xa4: {  	s25 =	simm.s32 $0x1B8E;
	s24 =	sld [smem:$0x3FFE];
	[sflag:s23] =	ssyncadd.s32 $0xFFFFFFFF  }
0xa5: {  	s26 =	simm.s32 $execute0_lowered;
	[smem:$0x3FD2] =	sst s25  }
0xa6: {  	s4 =	sshll.u32 s26, $0x1;
	_ =	strace $0x80000046;
	[dreg:$0x1] =	wrdreg $0xFFFFFFFF  }
0xa7: {  	s28 =	simm.s32 $_size_execute0_lowered;
	s2 =	sadd.s32 s2, s4;
	[dreg:$0x0] =	wrdreg $0x0  }
0xa8: {  	s4 =	sshll.u32 s28, $0x1;
	[dreg:$0x2] =	wrdreg s2  }
0xa9: {  	[dreg:$0x3] =	wrdreg s4  }
0xaa: {  	[dreg:$0x4] =	wrdreg $0xC0  }
0xab: {  	_ =	task [dreg:s6], $0x5FFFF  }
0xac: {  	[dreg:$0x1] =	wrdreg $0xFFFFFFFF  }
0xad: {  	[dreg:$0x0] =	wrdreg $0x60  }
0xae: {  	[dreg:$0x2] =	wrdreg s24  }
0xaf: {  	[dreg:$0x3] =	wrdreg $0x9  }
0xb0: {  	_ =	task.clear_ibuf [dreg:s6], $0x4FFFF;
	_ =	strace $0x90000046  }
0xb1: {  	s29 =	simm.s32 $0x9;
	_ =	strace $0x80000048  }
0xb2: {  	_ =	swait.ge [sflag:s29], $0x1  }
0xb3: {  	[sflag:s29] =	ssyncadd.s32 $0xFFFFFFFF  }
0xb4: {  	_ =	strace $0x90000048  }
0xb5: {  	_ =	sfence  }
0xb6: {  	s30 =	sld [smem:$0x0];
	_ =	sdelay $0x2  }
0xb7: {  	s31 =	sshll.u32 s1, $0xD;
	s1 =	sshrl.u32 s1, $0x2  }
0xb8: {  	s3 =	sand.u32 $0x4000, s31;
	s1 =	sadd.s32 s1, s30  }
0xb9: {  	s0 =	sor.u32 s3, s0;
	s1 =	sshll.u32 s1, $0x11  }
0xba: {  	s0 =	sor.u32 s1, s0  }
0xbb: {  	s0 =	sadd.s32 $0x8F2B, s0  }
0xbc: {  	[sflag:s0] =	ssyncadd.remote.s32 $0x1  }
0xbd: {  	_ =	sfence.sel $0xFFFF  }
0xbe: {  	[dreg:$0x0] =	wrdreg $0xFFFFFFFF;
	(pc) =	sbr.abs _section_cstart, $3  }
0xbf: {  	[dreg:$0x1] =	wrdreg $0xFFFFFFFF  }
0xc0: {  	_ =	task.clear_ibuf [dreg:s6], $0x2FFFF;
	_ =	strace $0x9FFFFFFF  }
0xc1: {  	(tm) =	ssettm $0x7FFFFFFF  }
tec
execute0_lowered:
.L_overlay_start_1:
0x0: {  	(tag) =	ssettag $0x1  }
0x1: {  	s0 =	srdreg.scid;
	s1 =	stileid.u32  }
0x2: {  	s4 =	rddreg [dreg:$0x0];
	s2 =	simm.s32 $0x0;
	s7 =	simm.s32 $0x9  }
0x3: {  	s8 =	simm.s32 $0x80;
	s10 =	simm.s32 $0x48;
	s9 =	simm.s32 $0x10A00  }
0x4: {  	s11 =	simm.s32 $0x530;
	s12 =	simm.s32 $0x11A00;
	s13 =	simm.s32 $0x578  }
0x5: {  	s14 =	simm.s32 $0x12300;
	s15 =	simm.s32 $0x5F8;
	s16 =	simm.s32 $0x13300  }
0x6: {  	s17 =	simm.s32 $0x1;
	s18 =	simm.s32 $0x2;
	s19 =	simm.s32 $0x3  }
0x7: {  	s20 =	simm.s32 $0x4;
	s21 =	simm.s32 $0x5;
	s22 =	simm.s32 $0x6  }
0x8: {  	s23 =	simm.s32 $0x7;
	s24 =	simm.s32 $0x8;
	s25 =	simm.s32 $0x6400  }
0x9: {  	s26 =	simm.s32 $0x0;
	s0 =	sand.u32 $0x1, s0;
	s1 =	sshll.u32 s1, $0x1  }
.Ltmp0:
0xa: {  	[smem:$0x7FF] =	sst s2;
	s1 =	sor.u32 s0, s1;
	(pc) =	sbr.rel .LBB2_1-.Ltmp0, $4  }
0xb: {  	s0 =	ssub.s32 $0x2, s0;
	s3 =	smul.u32 $0xC80, s1;
	s1 =	sshll.u32 s1, $0x9  }
0xc: {  	_ =	strace $0x80000047;
	s6 =	sshrl.u32 s0, $0x1;
	s1 =	sadd.s32 s1, s4  }
0xd: {  	s0 =	ssub.s32 s0, s6;
	s5 =	sadd.s32 s3, s4;
	s3 =	sadd.s32 $0xF43000, s4  }
0xe: {  	s6 =	smax.u32 s0, $0x1;
	s4 =	sadd.s32 $0xC00, s5;
	s5 =	sadd.s32 $0x19C00, s1  }
.LBB2_20:
0xf: {  	s26 =	sadd.s32 $0x1, s26  }
0x10: {  	p0 =	sne.s32 s26, s6  }
.Ltmp1:
0x11: {  	_ = 	snop;
	(pc) =	sbr.rel @!p0 .LBB2_21-.Ltmp1, $4  }
0x12: {  	[hbm4b:s5+s2] =	stream.linear.scatter [tilespmem:s25], [sflag:$0x9], $0x1000, $0x38;
	[tilespmem:$0x13C00] =	vst v63  }
0x13: {  	_ =	swait.ge [sflag:s7], $0x1000  }
0x14: {  	[sflag:s7] =	ssyncset.done $0x0  }
0x15: {  	[sflag:s7] =	ssyncadd.s32 $0xFFFFF000  }
.LBB2_1:
0x16: {  	[tilespmem:s2], [sflag:$0x9] =	stream.linear.gather [hbm4b:s4+s2], $0x6400, $0x38;
	[tilespmem:$0x13C00] =	vst v63  }
0x17: {  	_ =	swait.ge [sflag:s7], $0x6400  }
0x18: {  	[sflag:s7] =	ssyncset.done $0x0  }
0x19: {  	s0 =	simm.s32 $0x7400;
	[sflag:s7] =	ssyncadd.s32 $0xFFFF9C00  }
0x1a: {  	[tilespmem:s0], [sflag:$0x1] =	stream.indirect.gather [hbm4b:s3+s8], $0x20, s2, s8, $0xb8;
	[tilespmem:$0x13C00] =	vst v63  }
0x1b: {  	s30 =	simm.s32 $0x8400  }
0x1c: {  	[tilespmem:s30], [sflag:$0x1] =	stream.indirect.gather [hbm4b:s3+s10], $0x20, s8, s10, $0xb8;
	[tilespmem:$0x13C00] =	vst v63  }
0x1d: {  	s31 =	simm.s32 $0xC8;
	s1 =	simm.s32 $0x8D00  }
0x1e: {  	[tilespmem:s1], [sflag:$0x2] =	stream.indirect.gather [hbm4b:s3+s8], $0x20, s31, s8, $0xb8;
	[tilespmem:$0x13C00] =	vst v63  }
0x1f: {  	s29 =	simm.s32 $0x9D00;
	s1 =	simm.s32 $0x148  }
0x20: {  	[tilespmem:s29], [sflag:$0x2] =	stream.indirect.gather [hbm4b:s3+s10], $0x20, s1, s10, $0xb8;
	[tilespmem:$0x13C00] =	vst v63  }
0x21: {  	s30 =	simm.s32 $0x190;
	s31 =	simm.s32 $0xA600  }
0x22: {  	[tilespmem:s31], [sflag:$0x3] =	stream.indirect.gather [hbm4b:s3+s8], $0x20, s30, s8, $0xb8;
	[tilespmem:$0x13C00] =	vst v63  }
0x23: {  	s1 =	simm.s32 $0x210;
	s29 =	simm.s32 $0xB600  }
0x24: {  	[tilespmem:s29], [sflag:$0x3] =	stream.indirect.gather [hbm4b:s3+s10], $0x20, s1, s10, $0xb8;
	[tilespmem:$0x13C00] =	vst v63  }
0x25: {  	s30 =	simm.s32 $0x258;
	s31 =	simm.s32 $0xBF00  }
0x26: {  	[tilespmem:s31], [sflag:$0x4] =	stream.indirect.gather [hbm4b:s3+s8], $0x20, s30, s8, $0xb8;
	[tilespmem:$0x13C00] =	vst v63  }
0x27: {  	s1 =	simm.s32 $0x2D8;
	s29 =	simm.s32 $0xCF00  }
0x28: {  	[tilespmem:s29], [sflag:$0x4] =	stream.indirect.gather [hbm4b:s3+s10], $0x20, s1, s10, $0xb8;
	[tilespmem:$0x13C00] =	vst v63  }
0x29: {  	s30 =	simm.s32 $0x320;
	s31 =	simm.s32 $0xD800  }
0x2a: {  	[tilespmem:s31], [sflag:$0x5] =	stream.indirect.gather [hbm4b:s3+s8], $0x20, s30, s8, $0xb8;
	[tilespmem:$0x13C00] =	vst v63  }
0x2b: {  	s1 =	simm.s32 $0x3A0;
	s29 =	simm.s32 $0xE800  }
0x2c: {  	[tilespmem:s29], [sflag:$0x5] =	stream.indirect.gather [hbm4b:s3+s10], $0x20, s1, s10, $0xb8;
	[tilespmem:$0x13C00] =	vst v63  }
0x2d: {  	s30 =	simm.s32 $0x3E8;
	s31 =	simm.s32 $0xF100  }
0x2e: {  	[tilespmem:s31], [sflag:$0x6] =	stream.indirect.gather [hbm4b:s3+s8], $0x20, s30, s8, $0xb8;
	[tilespmem:$0x13C00] =	vst v63  }
0x2f: {  	s29 =	simm.s32 $0x468;
	s30 =	simm.s32 $0x10100  }
0x30: {  	[tilespmem:s30], [sflag:$0x6] =	stream.indirect.gather [hbm4b:s3+s10], $0x20, s29, s10, $0xb8;
	[tilespmem:$0x13C00] =	vst v63  }
0x31: {  	s31 =	simm.s32 $0x4B0  }
0x32: {  	[tilespmem:s9], [sflag:$0x7] =	stream.indirect.gather [hbm4b:s3+s8], $0x20, s31, s8, $0xb8;
	[tilespmem:$0x13C00] =	vst v63  }
0x33: {  	_ = 	snop  }
0x34: {  	[tilespmem:s12], [sflag:$0x7] =	stream.indirect.gather [hbm4b:s3+s10], $0x20, s11, s10, $0xb8;
	[tilespmem:$0x13C00] =	vst v63  }
0x35: {  	_ = 	snop  }
0x36: {  	[tilespmem:s14], [sflag:$0x8] =	stream.indirect.gather [hbm4b:s3+s8], $0x20, s13, s8, $0xb8;
	[tilespmem:$0x13C00] =	vst v63  }
0x37: {  	s28 =	simm.s32 $0x0  }
0x38: {  	[tilespmem:s16], [sflag:$0x8] =	stream.indirect.gather [hbm4b:s3+s10], $0x20, s15, s10, $0xb8;
	[tilespmem:$0x13C00] =	vst v63  }
.LBB2_2:
0x39: {  	_ =	swait.ge [sflag:s17], $0x1000  }
0x3a: {  	[sflag:s17] =	ssyncset.done $0x0  }
0x3b: {  	[sflag:s17] =	ssyncadd.s32 $0xFFFFF000  }
0x3c: {  	_ =	swait.ge [sflag:s17], $0x900  }
0x3d: {  	[sflag:s17] =	ssyncset.done $0x0  }
0x3e: {  	s1 =	simm.s32 $0x7480;
	[sflag:s17] =	ssyncadd.s32 $0xFFFFF700  }
0x3f: {  	v0 =	vld [tilespmem:s1+$0xFFFFFF80]  }
0x40: {  	v1 =	vld [tilespmem:s1+$0xFFFFFF90]  }
0x41: {  	v2 =	vld [tilespmem:s1+$0xFFFFFFA0]  }
0x42: {  	v3 =	vld [tilespmem:s1+$0xFFFFFFB0]  }
0x43: {  	v4 =	vld [tilespmem:s1+$0xFFFFFFC0]  }
0x44: {  	v6 =	vimm.f32 $0.0e+00;
	v5 =	vld [tilespmem:s1+$0xFFFFFFD0]  }
0x45: {  	v7 =	vld [tilespmem:s1+$0xFFFFFFE0];
	v0 =	vadd.f32 v0, v6;
	v1 =	vadd.f32 v1, v6  }
0x46: {  	v6 =	vld [tilespmem:s1+$0xFFFFFFF0]  }
0x47: {  	v8 =	vld [tilespmem:s1+$0x0];
	v2 =	vadd.f32 v2, v0;
	v1 =	vadd.f32 v3, v1  }
0x48: {  	v9 =	vld [tilespmem:s1+$0x10]  }
0x49: {  	v0 =	vld [tilespmem:s1+$0x20];
	v2 =	vadd.f32 v4, v2;
	v4 =	vadd.f32 v5, v1  }
0x4a: {  	v3 =	vld [tilespmem:s1+$0x30]  }
0x4b: {  	v1 =	vld [tilespmem:s1+$0x40];
	v5 =	vadd.f32 v7, v2;
	v7 =	vadd.f32 v6, v4  }
0x4c: {  	v4 =	vld [tilespmem:s1+$0x50]  }
0x4d: {  	v2 =	vld [tilespmem:s1+$0x60];
	v6 =	vadd.f32 v8, v5;
	v7 =	vadd.f32 v9, v7  }
0x4e: {  	s29 =	simm.s32 $0x0;
	s30 =	simm.s32 $0x7580;
	v5 =	vld [tilespmem:s1+$0x70]  }
.LBB2_3:
0x4f: {  	v8 =	vld [tilespmem:s30+$0xFFFFFF80];
	v0 =	vadd.f32 v0, v6;
	v3 =	vadd.f32 v3, v7  }
0x50: {  	s29 =	sadd.s32 $0x8, s29;
	v6 =	vld [tilespmem:s30+$0xFFFFFF90]  }
0x51: {  	p0 =	slt.u32 s29, $0xC0;
	v7 =	vld [tilespmem:s30+$0xFFFFFFA0];
	v0 =	vadd.f32 v1, v0;
	v1 =	vadd.f32 v4, v3  }
0x52: {  	v3 =	vld [tilespmem:s30+$0xFFFFFFB0]  }
0x53: {  	v4 =	vld [tilespmem:s30+$0xFFFFFFC0];
	v0 =	vadd.f32 v2, v0;
	v1 =	vadd.f32 v5, v1  }
0x54: {  	v2 =	vld [tilespmem:s30+$0xFFFFFFD0]  }
0x55: {  	v0 =	vadd.f32 v8, v0;
	v1 =	vadd.f32 v6, v1;
	v5 =	vld [tilespmem:s30+$0xFFFFFFE0]  }
0x56: {  	v6 =	vld [tilespmem:s30+$0xFFFFFFF0]  }
0x57: {  	v0 =	vadd.f32 v7, v0;
	v1 =	vadd.f32 v3, v1;
	v7 =	vld [tilespmem:s30+$0x0]  }
0x58: {  	v8 =	vld [tilespmem:s30+$0x10]  }
0x59: {  	v4 =	vadd.f32 v4, v0;
	v1 =	vadd.f32 v2, v1;
	v0 =	vld [tilespmem:s30+$0x20]  }
.Ltmp2:
0x5a: {  	v3 =	vld [tilespmem:s30+$0x30];
	(pc) =	sbr.rel @p0 .LBB2_3-.Ltmp2, $4  }
0x5b: {  	v2 =	vadd.f32 v5, v4;
	v5 =	vadd.f32 v6, v1;
	v1 =	vld [tilespmem:s30+$0x40]  }
0x5c: {  	v4 =	vld [tilespmem:s30+$0x50]  }
0x5d: {  	v6 =	vadd.f32 v7, v2;
	v7 =	vadd.f32 v8, v5;
	v2 =	vld [tilespmem:s30+$0x60]  }
0x5e: {  	v5 =	vld [tilespmem:s30+$0x70];
	s30 =	sadd.s32 $0x100, s30  }
0x5f: {  	v0 =	vadd.f32 v0, v6  }
0x60: {  	v3 =	vadd.f32 v3, v7  }
0x61: {  	v0 =	vadd.f32 v1, v0  }
0x62: {  	p0 =	seq.s32 s28, $0xF;
	v1 =	vadd.f32 v4, v3  }
0x63: {  	s1 =	sshll.u32 s28, $0x8;
	s30 =	smul.u32 @!p0 $0x1900, s28;
	v0 =	vadd.f32 v2, v0  }
0x64: {  	s29 =	sand.u32 $0x3FFFFF00, s1;
	v1 =	vadd.f32 v5, v1  }
0x65: {  	s30 =	sshra.s32 @!p0 s30, $0x2;
	[tilespmem:s29+$0x6400] =	vst v0  }
0x66: {  	s31 =	simm.s32 @!p0 $0x80;
	s0 =	simm.s32 @!p0 $0x7400;
	s1 =	sadd.s32 @!p0 $0x640, s30;
	[tilespmem:s29+$0x6410] =	vst v1  }
0x67: {  	[tilespmem:s0], [sflag:$0x1] =	stream.indirect.gather @!p0 [hbm4b:s3+s31], $0x20, s1, s31, $0xb8;
	[tilespmem:$0x13C00] =	vst v63  }
0x68: {  	s0 =	sadd.s32 @!p0 $0x6C0, s30;
	s1 =	simm.s32 @!p0 $0x48;
	s31 =	simm.s32 @!p0 $0x8400  }
0x69: {  	[tilespmem:s31], [sflag:$0x1] =	stream.indirect.gather @!p0 [hbm4b:s3+s1], $0x20, s0, s1, $0xb8;
	[tilespmem:$0x13C00] =	vst v63  }
0x6a: {  	_ =	swait.ge [sflag:s18], $0x1000  }
0x6b: {  	[sflag:s18] =	ssyncset.done $0x0  }
0x6c: {  	[sflag:s18] =	ssyncadd.s32 $0xFFFFF000  }
0x6d: {  	_ =	swait.ge [sflag:s18], $0x900  }
0x6e: {  	[sflag:s18] =	ssyncset.done $0x0  }
0x6f: {  	s1 =	simm.s32 $0x8D80;
	[sflag:s18] =	ssyncadd.s32 $0xFFFFF700  }
0x70: {  	v0 =	vld [tilespmem:s1+$0xFFFFFF80]  }
0x71: {  	v1 =	vld [tilespmem:s1+$0xFFFFFF90]  }
0x72: {  	v2 =	vld [tilespmem:s1+$0xFFFFFFA0]  }
0x73: {  	v3 =	vld [tilespmem:s1+$0xFFFFFFB0]  }
0x74: {  	v4 =	vld [tilespmem:s1+$0xFFFFFFC0]  }
0x75: {  	v6 =	vimm.f32 $0.0e+00;
	v5 =	vld [tilespmem:s1+$0xFFFFFFD0]  }
0x76: {  	v7 =	vld [tilespmem:s1+$0xFFFFFFE0];
	v0 =	vadd.f32 v0, v6;
	v1 =	vadd.f32 v1, v6  }
0x77: {  	v6 =	vld [tilespmem:s1+$0xFFFFFFF0]  }
0x78: {  	v8 =	vld [tilespmem:s1+$0x0];
	v2 =	vadd.f32 v2, v0;
	v1 =	vadd.f32 v3, v1  }
0x79: {  	v9 =	vld [tilespmem:s1+$0x10]  }
0x7a: {  	v0 =	vld [tilespmem:s1+$0x20];
	v2 =	vadd.f32 v4, v2;
	v4 =	vadd.f32 v5, v1  }
0x7b: {  	v3 =	vld [tilespmem:s1+$0x30]  }
0x7c: {  	v1 =	vld [tilespmem:s1+$0x40];
	v5 =	vadd.f32 v7, v2;
	v7 =	vadd.f32 v6, v4  }
0x7d: {  	v4 =	vld [tilespmem:s1+$0x50]  }
0x7e: {  	v2 =	vld [tilespmem:s1+$0x60];
	v6 =	vadd.f32 v8, v5;
	v7 =	vadd.f32 v9, v7  }
0x7f: {  	s31 =	simm.s32 $0x0;
	v5 =	vld [tilespmem:s1+$0x70];
	s1 =	simm.s32 $0x8E80  }
.LBB2_5:
0x80: {  	v8 =	vld [tilespmem:s1+$0xFFFFFF80];
	v0 =	vadd.f32 v0, v6;
	v3 =	vadd.f32 v3, v7  }
0x81: {  	s31 =	sadd.s32 $0x8, s31;
	v6 =	vld [tilespmem:s1+$0xFFFFFF90]  }
0x82: {  	p1 =	slt.u32 s31, $0xC0;
	v7 =	vld [tilespmem:s1+$0xFFFFFFA0];
	v0 =	vadd.f32 v1, v0;
	v1 =	vadd.f32 v4, v3  }
0x83: {  	v3 =	vld [tilespmem:s1+$0xFFFFFFB0]  }
0x84: {  	v4 =	vld [tilespmem:s1+$0xFFFFFFC0];
	v0 =	vadd.f32 v2, v0;
	v1 =	vadd.f32 v5, v1  }
0x85: {  	v2 =	vld [tilespmem:s1+$0xFFFFFFD0]  }
0x86: {  	v0 =	vadd.f32 v8, v0;
	v1 =	vadd.f32 v6, v1;
	v5 =	vld [tilespmem:s1+$0xFFFFFFE0]  }
0x87: {  	v6 =	vld [tilespmem:s1+$0xFFFFFFF0]  }
0x88: {  	v0 =	vadd.f32 v7, v0;
	v1 =	vadd.f32 v3, v1;
	v7 =	vld [tilespmem:s1+$0x0]  }
0x89: {  	v8 =	vld [tilespmem:s1+$0x10]  }
0x8a: {  	v4 =	vadd.f32 v4, v0;
	v1 =	vadd.f32 v2, v1;
	v0 =	vld [tilespmem:s1+$0x20]  }
.Ltmp3:
0x8b: {  	v3 =	vld [tilespmem:s1+$0x30];
	(pc) =	sbr.rel @p1 .LBB2_5-.Ltmp3, $4  }
0x8c: {  	v2 =	vadd.f32 v5, v4;
	v5 =	vadd.f32 v6, v1;
	v1 =	vld [tilespmem:s1+$0x40]  }
0x8d: {  	v4 =	vld [tilespmem:s1+$0x50]  }
0x8e: {  	v6 =	vadd.f32 v7, v2;
	v7 =	vadd.f32 v8, v5;
	v2 =	vld [tilespmem:s1+$0x60]  }
0x8f: {  	v5 =	vld [tilespmem:s1+$0x70];
	s1 =	sadd.s32 $0x100, s1  }
0x90: {  	v0 =	vadd.f32 v0, v6  }
0x91: {  	v3 =	vadd.f32 v3, v7  }
0x92: {  	v0 =	vadd.f32 v1, v0  }
0x93: {  	v1 =	vadd.f32 v4, v3  }
0x94: {  	v0 =	vadd.f32 v2, v0  }
0x95: {  	v1 =	vadd.f32 v5, v1  }
0x96: {  	[tilespmem:s29+$0x6420] =	vst v0  }
0x97: {  	s0 =	sadd.s32 @!p0 $0x708, s30;
	s1 =	simm.s32 @!p0 $0x80;
	s31 =	simm.s32 @!p0 $0x8D00;
	[tilespmem:s29+$0x6430] =	vst v1  }
0x98: {  	[tilespmem:s31], [sflag:$0x2] =	stream.indirect.gather @!p0 [hbm4b:s3+s1], $0x20, s0, s1, $0xb8;
	[tilespmem:$0x13C00] =	vst v63  }
0x99: {  	s0 =	sadd.s32 @!p0 $0x788, s30;
	s1 =	simm.s32 @!p0 $0x48;
	s31 =	simm.s32 @!p0 $0x9D00  }
0x9a: {  	[tilespmem:s31], [sflag:$0x2] =	stream.indirect.gather @!p0 [hbm4b:s3+s1], $0x20, s0, s1, $0xb8;
	[tilespmem:$0x13C00] =	vst v63  }
0x9b: {  	_ =	swait.ge [sflag:s19], $0x1000  }
0x9c: {  	[sflag:s19] =	ssyncset.done $0x0  }
0x9d: {  	[sflag:s19] =	ssyncadd.s32 $0xFFFFF000  }
0x9e: {  	_ =	swait.ge [sflag:s19], $0x900  }
0x9f: {  	[sflag:s19] =	ssyncset.done $0x0  }
0xa0: {  	s1 =	simm.s32 $0xA680;
	[sflag:s19] =	ssyncadd.s32 $0xFFFFF700  }
0xa1: {  	v0 =	vld [tilespmem:s1+$0xFFFFFF80]  }
0xa2: {  	v1 =	vld [tilespmem:s1+$0xFFFFFF90]  }
0xa3: {  	v2 =	vld [tilespmem:s1+$0xFFFFFFA0]  }
0xa4: {  	v3 =	vld [tilespmem:s1+$0xFFFFFFB0]  }
0xa5: {  	v4 =	vld [tilespmem:s1+$0xFFFFFFC0]  }
0xa6: {  	v6 =	vimm.f32 $0.0e+00;
	v5 =	vld [tilespmem:s1+$0xFFFFFFD0]  }
0xa7: {  	v7 =	vld [tilespmem:s1+$0xFFFFFFE0];
	v0 =	vadd.f32 v0, v6;
	v1 =	vadd.f32 v1, v6  }
0xa8: {  	v6 =	vld [tilespmem:s1+$0xFFFFFFF0]  }
0xa9: {  	v8 =	vld [tilespmem:s1+$0x0];
	v2 =	vadd.f32 v2, v0;
	v1 =	vadd.f32 v3, v1  }
0xaa: {  	v9 =	vld [tilespmem:s1+$0x10]  }
0xab: {  	v0 =	vld [tilespmem:s1+$0x20];
	v2 =	vadd.f32 v4, v2;
	v4 =	vadd.f32 v5, v1  }
0xac: {  	v3 =	vld [tilespmem:s1+$0x30]  }
0xad: {  	v1 =	vld [tilespmem:s1+$0x40];
	v5 =	vadd.f32 v7, v2;
	v7 =	vadd.f32 v6, v4  }
0xae: {  	v4 =	vld [tilespmem:s1+$0x50]  }
0xaf: {  	v2 =	vld [tilespmem:s1+$0x60];
	v6 =	vadd.f32 v8, v5;
	v7 =	vadd.f32 v9, v7  }
0xb0: {  	s31 =	simm.s32 $0x0;
	v5 =	vld [tilespmem:s1+$0x70];
	s1 =	simm.s32 $0xA780  }
.LBB2_7:
0xb1: {  	v8 =	vld [tilespmem:s1+$0xFFFFFF80];
	v0 =	vadd.f32 v0, v6;
	v3 =	vadd.f32 v3, v7  }
0xb2: {  	s31 =	sadd.s32 $0x8, s31;
	v6 =	vld [tilespmem:s1+$0xFFFFFF90]  }
0xb3: {  	p1 =	slt.u32 s31, $0xC0;
	v7 =	vld [tilespmem:s1+$0xFFFFFFA0];
	v0 =	vadd.f32 v1, v0;
	v1 =	vadd.f32 v4, v3  }
0xb4: {  	v3 =	vld [tilespmem:s1+$0xFFFFFFB0]  }
0xb5: {  	v4 =	vld [tilespmem:s1+$0xFFFFFFC0];
	v0 =	vadd.f32 v2, v0;
	v1 =	vadd.f32 v5, v1  }
0xb6: {  	v2 =	vld [tilespmem:s1+$0xFFFFFFD0]  }
0xb7: {  	v0 =	vadd.f32 v8, v0;
	v1 =	vadd.f32 v6, v1;
	v5 =	vld [tilespmem:s1+$0xFFFFFFE0]  }
0xb8: {  	v6 =	vld [tilespmem:s1+$0xFFFFFFF0]  }
0xb9: {  	v0 =	vadd.f32 v7, v0;
	v1 =	vadd.f32 v3, v1;
	v7 =	vld [tilespmem:s1+$0x0]  }
0xba: {  	v8 =	vld [tilespmem:s1+$0x10]  }
0xbb: {  	v4 =	vadd.f32 v4, v0;
	v1 =	vadd.f32 v2, v1;
	v0 =	vld [tilespmem:s1+$0x20]  }
.Ltmp4:
0xbc: {  	v3 =	vld [tilespmem:s1+$0x30];
	(pc) =	sbr.rel @p1 .LBB2_7-.Ltmp4, $4  }
0xbd: {  	v2 =	vadd.f32 v5, v4;
	v5 =	vadd.f32 v6, v1;
	v1 =	vld [tilespmem:s1+$0x40]  }
0xbe: {  	v4 =	vld [tilespmem:s1+$0x50]  }
0xbf: {  	v6 =	vadd.f32 v7, v2;
	v7 =	vadd.f32 v8, v5;
	v2 =	vld [tilespmem:s1+$0x60]  }
0xc0: {  	v5 =	vld [tilespmem:s1+$0x70];
	s1 =	sadd.s32 $0x100, s1  }
0xc1: {  	v0 =	vadd.f32 v0, v6  }
0xc2: {  	v3 =	vadd.f32 v3, v7  }
0xc3: {  	v0 =	vadd.f32 v1, v0  }
0xc4: {  	v1 =	vadd.f32 v4, v3  }
0xc5: {  	v0 =	vadd.f32 v2, v0  }
0xc6: {  	v1 =	vadd.f32 v5, v1  }
0xc7: {  	[tilespmem:s29+$0x6440] =	vst v0  }
0xc8: {  	s0 =	sadd.s32 @!p0 $0x7D0, s30;
	s1 =	simm.s32 @!p0 $0x80;
	s31 =	simm.s32 @!p0 $0xA600;
	[tilespmem:s29+$0x6450] =	vst v1  }
0xc9: {  	[tilespmem:s31], [sflag:$0x3] =	stream.indirect.gather @!p0 [hbm4b:s3+s1], $0x20, s0, s1, $0xb8;
	[tilespmem:$0x13C00] =	vst v63  }
0xca: {  	s0 =	sadd.s32 @!p0 $0x850, s30;
	s1 =	simm.s32 @!p0 $0x48;
	s31 =	simm.s32 @!p0 $0xB600  }
0xcb: {  	[tilespmem:s31], [sflag:$0x3] =	stream.indirect.gather @!p0 [hbm4b:s3+s1], $0x20, s0, s1, $0xb8;
	[tilespmem:$0x13C00] =	vst v63  }
0xcc: {  	_ =	swait.ge [sflag:s20], $0x1000  }
0xcd: {  	[sflag:s20] =	ssyncset.done $0x0  }
0xce: {  	[sflag:s20] =	ssyncadd.s32 $0xFFFFF000  }
0xcf: {  	_ =	swait.ge [sflag:s20], $0x900  }
0xd0: {  	[sflag:s20] =	ssyncset.done $0x0  }
0xd1: {  	s1 =	simm.s32 $0xBF80;
	[sflag:s20] =	ssyncadd.s32 $0xFFFFF700  }
0xd2: {  	v0 =	vld [tilespmem:s1+$0xFFFFFF80]  }
0xd3: {  	v1 =	vld [tilespmem:s1+$0xFFFFFF90]  }
0xd4: {  	v2 =	vld [tilespmem:s1+$0xFFFFFFA0]  }
0xd5: {  	v3 =	vld [tilespmem:s1+$0xFFFFFFB0]  }
0xd6: {  	v4 =	vld [tilespmem:s1+$0xFFFFFFC0]  }
0xd7: {  	v6 =	vimm.f32 $0.0e+00;
	v5 =	vld [tilespmem:s1+$0xFFFFFFD0]  }
0xd8: {  	v7 =	vld [tilespmem:s1+$0xFFFFFFE0];
	v0 =	vadd.f32 v0, v6;
	v1 =	vadd.f32 v1, v6  }
0xd9: {  	v6 =	vld [tilespmem:s1+$0xFFFFFFF0]  }
0xda: {  	v8 =	vld [tilespmem:s1+$0x0];
	v2 =	vadd.f32 v2, v0;
	v1 =	vadd.f32 v3, v1  }
0xdb: {  	v9 =	vld [tilespmem:s1+$0x10]  }
0xdc: {  	v0 =	vld [tilespmem:s1+$0x20];
	v2 =	vadd.f32 v4, v2;
	v4 =	vadd.f32 v5, v1  }
0xdd: {  	v3 =	vld [tilespmem:s1+$0x30]  }
0xde: {  	v1 =	vld [tilespmem:s1+$0x40];
	v5 =	vadd.f32 v7, v2;
	v7 =	vadd.f32 v6, v4  }
0xdf: {  	v4 =	vld [tilespmem:s1+$0x50]  }
0xe0: {  	v2 =	vld [tilespmem:s1+$0x60];
	v6 =	vadd.f32 v8, v5;
	v7 =	vadd.f32 v9, v7  }
0xe1: {  	s31 =	simm.s32 $0x0;
	v5 =	vld [tilespmem:s1+$0x70];
	s1 =	simm.s32 $0xC080  }
.LBB2_9:
0xe2: {  	v8 =	vld [tilespmem:s1+$0xFFFFFF80];
	v0 =	vadd.f32 v0, v6;
	v3 =	vadd.f32 v3, v7  }
0xe3: {  	s31 =	sadd.s32 $0x8, s31;
	v6 =	vld [tilespmem:s1+$0xFFFFFF90]  }
0xe4: {  	p1 =	slt.u32 s31, $0xC0;
	v7 =	vld [tilespmem:s1+$0xFFFFFFA0];
	v0 =	vadd.f32 v1, v0;
	v1 =	vadd.f32 v4, v3  }
0xe5: {  	v3 =	vld [tilespmem:s1+$0xFFFFFFB0]  }
0xe6: {  	v4 =	vld [tilespmem:s1+$0xFFFFFFC0];
	v0 =	vadd.f32 v2, v0;
	v1 =	vadd.f32 v5, v1  }
0xe7: {  	v2 =	vld [tilespmem:s1+$0xFFFFFFD0]  }
0xe8: {  	v0 =	vadd.f32 v8, v0;
	v1 =	vadd.f32 v6, v1;
	v5 =	vld [tilespmem:s1+$0xFFFFFFE0]  }
0xe9: {  	v6 =	vld [tilespmem:s1+$0xFFFFFFF0]  }
0xea: {  	v0 =	vadd.f32 v7, v0;
	v1 =	vadd.f32 v3, v1;
	v7 =	vld [tilespmem:s1+$0x0]  }
0xeb: {  	v8 =	vld [tilespmem:s1+$0x10]  }
0xec: {  	v4 =	vadd.f32 v4, v0;
	v1 =	vadd.f32 v2, v1;
	v0 =	vld [tilespmem:s1+$0x20]  }
.Ltmp5:
0xed: {  	v3 =	vld [tilespmem:s1+$0x30];
	(pc) =	sbr.rel @p1 .LBB2_9-.Ltmp5, $4  }
0xee: {  	v2 =	vadd.f32 v5, v4;
	v5 =	vadd.f32 v6, v1;
	v1 =	vld [tilespmem:s1+$0x40]  }
0xef: {  	v4 =	vld [tilespmem:s1+$0x50]  }
0xf0: {  	v6 =	vadd.f32 v7, v2;
	v7 =	vadd.f32 v8, v5;
	v2 =	vld [tilespmem:s1+$0x60]  }
0xf1: {  	v5 =	vld [tilespmem:s1+$0x70];
	s1 =	sadd.s32 $0x100, s1  }
0xf2: {  	v0 =	vadd.f32 v0, v6  }
0xf3: {  	v3 =	vadd.f32 v3, v7  }
0xf4: {  	v0 =	vadd.f32 v1, v0  }
0xf5: {  	v1 =	vadd.f32 v4, v3  }
0xf6: {  	v0 =	vadd.f32 v2, v0  }
0xf7: {  	v1 =	vadd.f32 v5, v1  }
0xf8: {  	[tilespmem:s29+$0x6460] =	vst v0  }
0xf9: {  	s0 =	sadd.s32 @!p0 $0x898, s30;
	s1 =	simm.s32 @!p0 $0x80;
	s31 =	simm.s32 @!p0 $0xBF00;
	[tilespmem:s29+$0x6470] =	vst v1  }
0xfa: {  	[tilespmem:s31], [sflag:$0x4] =	stream.indirect.gather @!p0 [hbm4b:s3+s1], $0x20, s0, s1, $0xb8;
	[tilespmem:$0x13C00] =	vst v63  }
0xfb: {  	s0 =	sadd.s32 @!p0 $0x918, s30;
	s1 =	simm.s32 @!p0 $0x48;
	s31 =	simm.s32 @!p0 $0xCF00  }
0xfc: {  	[tilespmem:s31], [sflag:$0x4] =	stream.indirect.gather @!p0 [hbm4b:s3+s1], $0x20, s0, s1, $0xb8;
	[tilespmem:$0x13C00] =	vst v63  }
0xfd: {  	_ =	swait.ge [sflag:s21], $0x1000  }
0xfe: {  	[sflag:s21] =	ssyncset.done $0x0  }
0xff: {  	[sflag:s21] =	ssyncadd.s32 $0xFFFFF000  }
0x100: {  	_ =	swait.ge [sflag:s21], $0x900  }
0x101: {  	[sflag:s21] =	ssyncset.done $0x0  }
0x102: {  	s1 =	simm.s32 $0xD880;
	[sflag:s21] =	ssyncadd.s32 $0xFFFFF700  }
0x103: {  	v0 =	vld [tilespmem:s1+$0xFFFFFF80]  }
0x104: {  	v1 =	vld [tilespmem:s1+$0xFFFFFF90]  }
0x105: {  	v2 =	vld [tilespmem:s1+$0xFFFFFFA0]  }
0x106: {  	v3 =	vld [tilespmem:s1+$0xFFFFFFB0]  }
0x107: {  	v4 =	vld [tilespmem:s1+$0xFFFFFFC0]  }
0x108: {  	v6 =	vimm.f32 $0.0e+00;
	v5 =	vld [tilespmem:s1+$0xFFFFFFD0]  }
0x109: {  	v7 =	vld [tilespmem:s1+$0xFFFFFFE0];
	v0 =	vadd.f32 v0, v6;
	v1 =	vadd.f32 v1, v6  }
0x10a: {  	v6 =	vld [tilespmem:s1+$0xFFFFFFF0]  }
0x10b: {  	v8 =	vld [tilespmem:s1+$0x0];
	v2 =	vadd.f32 v2, v0;
	v1 =	vadd.f32 v3, v1  }
0x10c: {  	v9 =	vld [tilespmem:s1+$0x10]  }
0x10d: {  	v0 =	vld [tilespmem:s1+$0x20];
	v2 =	vadd.f32 v4, v2;
	v4 =	vadd.f32 v5, v1  }
0x10e: {  	v3 =	vld [tilespmem:s1+$0x30]  }
0x10f: {  	v1 =	vld [tilespmem:s1+$0x40];
	v5 =	vadd.f32 v7, v2;
	v7 =	vadd.f32 v6, v4  }
0x110: {  	v4 =	vld [tilespmem:s1+$0x50]  }
0x111: {  	v2 =	vld [tilespmem:s1+$0x60];
	v6 =	vadd.f32 v8, v5;
	v7 =	vadd.f32 v9, v7  }
0x112: {  	s31 =	simm.s32 $0x0;
	v5 =	vld [tilespmem:s1+$0x70];
	s1 =	simm.s32 $0xD980  }
.LBB2_11:
0x113: {  	v8 =	vld [tilespmem:s1+$0xFFFFFF80];
	v0 =	vadd.f32 v0, v6;
	v3 =	vadd.f32 v3, v7  }
0x114: {  	s31 =	sadd.s32 $0x8, s31;
	v6 =	vld [tilespmem:s1+$0xFFFFFF90]  }
0x115: {  	p1 =	slt.u32 s31, $0xC0;
	v7 =	vld [tilespmem:s1+$0xFFFFFFA0];
	v0 =	vadd.f32 v1, v0;
	v1 =	vadd.f32 v4, v3  }
0x116: {  	v3 =	vld [tilespmem:s1+$0xFFFFFFB0]  }
0x117: {  	v4 =	vld [tilespmem:s1+$0xFFFFFFC0];
	v0 =	vadd.f32 v2, v0;
	v1 =	vadd.f32 v5, v1  }
0x118: {  	v2 =	vld [tilespmem:s1+$0xFFFFFFD0]  }
0x119: {  	v0 =	vadd.f32 v8, v0;
	v1 =	vadd.f32 v6, v1;
	v5 =	vld [tilespmem:s1+$0xFFFFFFE0]  }
0x11a: {  	v6 =	vld [tilespmem:s1+$0xFFFFFFF0]  }
0x11b: {  	v0 =	vadd.f32 v7, v0;
	v1 =	vadd.f32 v3, v1;
	v7 =	vld [tilespmem:s1+$0x0]  }
0x11c: {  	v8 =	vld [tilespmem:s1+$0x10]  }
0x11d: {  	v4 =	vadd.f32 v4, v0;
	v1 =	vadd.f32 v2, v1;
	v0 =	vld [tilespmem:s1+$0x20]  }
.Ltmp6:
0x11e: {  	v3 =	vld [tilespmem:s1+$0x30];
	(pc) =	sbr.rel @p1 .LBB2_11-.Ltmp6, $4  }
0x11f: {  	v2 =	vadd.f32 v5, v4;
	v5 =	vadd.f32 v6, v1;
	v1 =	vld [tilespmem:s1+$0x40]  }
0x120: {  	v4 =	vld [tilespmem:s1+$0x50]  }
0x121: {  	v6 =	vadd.f32 v7, v2;
	v7 =	vadd.f32 v8, v5;
	v2 =	vld [tilespmem:s1+$0x60]  }
0x122: {  	v5 =	vld [tilespmem:s1+$0x70];
	s1 =	sadd.s32 $0x100, s1  }
0x123: {  	v0 =	vadd.f32 v0, v6  }
0x124: {  	v3 =	vadd.f32 v3, v7  }
0x125: {  	v0 =	vadd.f32 v1, v0  }
0x126: {  	v1 =	vadd.f32 v4, v3  }
0x127: {  	v0 =	vadd.f32 v2, v0  }
0x128: {  	v1 =	vadd.f32 v5, v1  }
0x129: {  	[tilespmem:s29+$0x6480] =	vst v0  }
0x12a: {  	s0 =	sadd.s32 @!p0 $0x960, s30;
	s1 =	simm.s32 @!p0 $0x80;
	s31 =	simm.s32 @!p0 $0xD800;
	[tilespmem:s29+$0x6490] =	vst v1  }
0x12b: {  	[tilespmem:s31], [sflag:$0x5] =	stream.indirect.gather @!p0 [hbm4b:s3+s1], $0x20, s0, s1, $0xb8;
	[tilespmem:$0x13C00] =	vst v63  }
0x12c: {  	s0 =	sadd.s32 @!p0 $0x9E0, s30;
	s1 =	simm.s32 @!p0 $0x48;
	s31 =	simm.s32 @!p0 $0xE800  }
0x12d: {  	[tilespmem:s31], [sflag:$0x5] =	stream.indirect.gather @!p0 [hbm4b:s3+s1], $0x20, s0, s1, $0xb8;
	[tilespmem:$0x13C00] =	vst v63  }
0x12e: {  	_ =	swait.ge [sflag:s22], $0x1000  }
0x12f: {  	[sflag:s22] =	ssyncset.done $0x0  }
0x130: {  	[sflag:s22] =	ssyncadd.s32 $0xFFFFF000  }
0x131: {  	_ =	swait.ge [sflag:s22], $0x900  }
0x132: {  	[sflag:s22] =	ssyncset.done $0x0  }
0x133: {  	s1 =	simm.s32 $0xF180;
	[sflag:s22] =	ssyncadd.s32 $0xFFFFF700  }
0x134: {  	v0 =	vld [tilespmem:s1+$0xFFFFFF80]  }
0x135: {  	v1 =	vld [tilespmem:s1+$0xFFFFFF90]  }
0x136: {  	v2 =	vld [tilespmem:s1+$0xFFFFFFA0]  }
0x137: {  	v3 =	vld [tilespmem:s1+$0xFFFFFFB0]  }
0x138: {  	v4 =	vld [tilespmem:s1+$0xFFFFFFC0]  }
0x139: {  	v6 =	vimm.f32 $0.0e+00;
	v5 =	vld [tilespmem:s1+$0xFFFFFFD0]  }
0x13a: {  	v7 =	vld [tilespmem:s1+$0xFFFFFFE0];
	v0 =	vadd.f32 v0, v6;
	v1 =	vadd.f32 v1, v6  }
0x13b: {  	v6 =	vld [tilespmem:s1+$0xFFFFFFF0]  }
0x13c: {  	v8 =	vld [tilespmem:s1+$0x0];
	v2 =	vadd.f32 v2, v0;
	v1 =	vadd.f32 v3, v1  }
0x13d: {  	v9 =	vld [tilespmem:s1+$0x10]  }
0x13e: {  	v0 =	vld [tilespmem:s1+$0x20];
	v2 =	vadd.f32 v4, v2;
	v4 =	vadd.f32 v5, v1  }
0x13f: {  	v3 =	vld [tilespmem:s1+$0x30]  }
0x140: {  	v1 =	vld [tilespmem:s1+$0x40];
	v5 =	vadd.f32 v7, v2;
	v7 =	vadd.f32 v6, v4  }
0x141: {  	v4 =	vld [tilespmem:s1+$0x50]  }
0x142: {  	v2 =	vld [tilespmem:s1+$0x60];
	v6 =	vadd.f32 v8, v5;
	v7 =	vadd.f32 v9, v7  }
0x143: {  	s31 =	simm.s32 $0x0;
	v5 =	vld [tilespmem:s1+$0x70];
	s1 =	simm.s32 $0xF280  }
.LBB2_13:
0x144: {  	v8 =	vld [tilespmem:s1+$0xFFFFFF80];
	v0 =	vadd.f32 v0, v6;
	v3 =	vadd.f32 v3, v7  }
0x145: {  	s31 =	sadd.s32 $0x8, s31;
	v6 =	vld [tilespmem:s1+$0xFFFFFF90]  }
0x146: {  	p1 =	slt.u32 s31, $0xC0;
	v7 =	vld [tilespmem:s1+$0xFFFFFFA0];
	v0 =	vadd.f32 v1, v0;
	v1 =	vadd.f32 v4, v3  }
0x147: {  	v3 =	vld [tilespmem:s1+$0xFFFFFFB0]  }
0x148: {  	v4 =	vld [tilespmem:s1+$0xFFFFFFC0];
	v0 =	vadd.f32 v2, v0;
	v1 =	vadd.f32 v5, v1  }
0x149: {  	v2 =	vld [tilespmem:s1+$0xFFFFFFD0]  }
0x14a: {  	v0 =	vadd.f32 v8, v0;
	v1 =	vadd.f32 v6, v1;
	v5 =	vld [tilespmem:s1+$0xFFFFFFE0]  }
0x14b: {  	v6 =	vld [tilespmem:s1+$0xFFFFFFF0]  }
0x14c: {  	v0 =	vadd.f32 v7, v0;
	v1 =	vadd.f32 v3, v1;
	v7 =	vld [tilespmem:s1+$0x0]  }
0x14d: {  	v8 =	vld [tilespmem:s1+$0x10]  }
0x14e: {  	v4 =	vadd.f32 v4, v0;
	v1 =	vadd.f32 v2, v1;
	v0 =	vld [tilespmem:s1+$0x20]  }
.Ltmp7:
0x14f: {  	v3 =	vld [tilespmem:s1+$0x30];
	(pc) =	sbr.rel @p1 .LBB2_13-.Ltmp7, $4  }
0x150: {  	v2 =	vadd.f32 v5, v4;
	v5 =	vadd.f32 v6, v1;
	v1 =	vld [tilespmem:s1+$0x40]  }
0x151: {  	v4 =	vld [tilespmem:s1+$0x50]  }
0x152: {  	v6 =	vadd.f32 v7, v2;
	v7 =	vadd.f32 v8, v5;
	v2 =	vld [tilespmem:s1+$0x60]  }
0x153: {  	v5 =	vld [tilespmem:s1+$0x70];
	s1 =	sadd.s32 $0x100, s1  }
0x154: {  	v0 =	vadd.f32 v0, v6  }
0x155: {  	v3 =	vadd.f32 v3, v7  }
0x156: {  	v0 =	vadd.f32 v1, v0  }
0x157: {  	v1 =	vadd.f32 v4, v3  }
0x158: {  	v0 =	vadd.f32 v2, v0  }
0x159: {  	v1 =	vadd.f32 v5, v1  }
0x15a: {  	[tilespmem:s29+$0x64A0] =	vst v0  }
0x15b: {  	s0 =	sadd.s32 @!p0 $0xA28, s30;
	s1 =	simm.s32 @!p0 $0x80;
	s31 =	simm.s32 @!p0 $0xF100;
	[tilespmem:s29+$0x64B0] =	vst v1  }
0x15c: {  	[tilespmem:s31], [sflag:$0x6] =	stream.indirect.gather @!p0 [hbm4b:s3+s1], $0x20, s0, s1, $0xb8;
	[tilespmem:$0x13C00] =	vst v63  }
0x15d: {  	s0 =	sadd.s32 @!p0 $0xAA8, s30;
	s1 =	simm.s32 @!p0 $0x48;
	s31 =	simm.s32 @!p0 $0x10100  }
0x15e: {  	[tilespmem:s31], [sflag:$0x6] =	stream.indirect.gather @!p0 [hbm4b:s3+s1], $0x20, s0, s1, $0xb8;
	[tilespmem:$0x13C00] =	vst v63  }
0x15f: {  	_ =	swait.ge [sflag:s23], $0x1000  }
0x160: {  	[sflag:s23] =	ssyncset.done $0x0  }
0x161: {  	[sflag:s23] =	ssyncadd.s32 $0xFFFFF000  }
0x162: {  	_ =	swait.ge [sflag:s23], $0x900  }
0x163: {  	[sflag:s23] =	ssyncset.done $0x0  }
0x164: {  	s1 =	simm.s32 $0x10A80;
	[sflag:s23] =	ssyncadd.s32 $0xFFFFF700  }
0x165: {  	v0 =	vld [tilespmem:s1+$0xFFFFFF80]  }
0x166: {  	v1 =	vld [tilespmem:s1+$0xFFFFFF90]  }
0x167: {  	v2 =	vld [tilespmem:s1+$0xFFFFFFA0]  }
0x168: {  	v3 =	vld [tilespmem:s1+$0xFFFFFFB0]  }
0x169: {  	v4 =	vld [tilespmem:s1+$0xFFFFFFC0]  }
0x16a: {  	v6 =	vimm.f32 $0.0e+00;
	v5 =	vld [tilespmem:s1+$0xFFFFFFD0]  }
0x16b: {  	v7 =	vld [tilespmem:s1+$0xFFFFFFE0];
	v0 =	vadd.f32 v0, v6;
	v1 =	vadd.f32 v1, v6  }
0x16c: {  	v6 =	vld [tilespmem:s1+$0xFFFFFFF0]  }
0x16d: {  	v8 =	vld [tilespmem:s1+$0x0];
	v2 =	vadd.f32 v2, v0;
	v1 =	vadd.f32 v3, v1  }
0x16e: {  	v9 =	vld [tilespmem:s1+$0x10]  }
0x16f: {  	v0 =	vld [tilespmem:s1+$0x20];
	v2 =	vadd.f32 v4, v2;
	v4 =	vadd.f32 v5, v1  }
0x170: {  	v3 =	vld [tilespmem:s1+$0x30]  }
0x171: {  	v1 =	vld [tilespmem:s1+$0x40];
	v5 =	vadd.f32 v7, v2;
	v7 =	vadd.f32 v6, v4  }
0x172: {  	v4 =	vld [tilespmem:s1+$0x50]  }
0x173: {  	v2 =	vld [tilespmem:s1+$0x60];
	v6 =	vadd.f32 v8, v5;
	v7 =	vadd.f32 v9, v7  }
0x174: {  	s31 =	simm.s32 $0x0;
	v5 =	vld [tilespmem:s1+$0x70];
	s1 =	simm.s32 $0x10B80  }
.LBB2_15:
0x175: {  	v8 =	vld [tilespmem:s1+$0xFFFFFF80];
	v0 =	vadd.f32 v0, v6;
	v3 =	vadd.f32 v3, v7  }
0x176: {  	s31 =	sadd.s32 $0x8, s31;
	v6 =	vld [tilespmem:s1+$0xFFFFFF90]  }
0x177: {  	p1 =	slt.u32 s31, $0xC0;
	v7 =	vld [tilespmem:s1+$0xFFFFFFA0];
	v0 =	vadd.f32 v1, v0;
	v1 =	vadd.f32 v4, v3  }
0x178: {  	v3 =	vld [tilespmem:s1+$0xFFFFFFB0]  }
0x179: {  	v4 =	vld [tilespmem:s1+$0xFFFFFFC0];
	v0 =	vadd.f32 v2, v0;
	v1 =	vadd.f32 v5, v1  }
0x17a: {  	v2 =	vld [tilespmem:s1+$0xFFFFFFD0]  }
0x17b: {  	v0 =	vadd.f32 v8, v0;
	v1 =	vadd.f32 v6, v1;
	v5 =	vld [tilespmem:s1+$0xFFFFFFE0]  }
0x17c: {  	v6 =	vld [tilespmem:s1+$0xFFFFFFF0]  }
0x17d: {  	v0 =	vadd.f32 v7, v0;
	v1 =	vadd.f32 v3, v1;
	v7 =	vld [tilespmem:s1+$0x0]  }
0x17e: {  	v8 =	vld [tilespmem:s1+$0x10]  }
0x17f: {  	v4 =	vadd.f32 v4, v0;
	v1 =	vadd.f32 v2, v1;
	v0 =	vld [tilespmem:s1+$0x20]  }
.Ltmp8:
0x180: {  	v3 =	vld [tilespmem:s1+$0x30];
	(pc) =	sbr.rel @p1 .LBB2_15-.Ltmp8, $4  }
0x181: {  	v2 =	vadd.f32 v5, v4;
	v5 =	vadd.f32 v6, v1;
	v1 =	vld [tilespmem:s1+$0x40]  }
0x182: {  	v4 =	vld [tilespmem:s1+$0x50]  }
0x183: {  	v6 =	vadd.f32 v7, v2;
	v7 =	vadd.f32 v8, v5;
	v2 =	vld [tilespmem:s1+$0x60]  }
0x184: {  	v5 =	vld [tilespmem:s1+$0x70];
	s1 =	sadd.s32 $0x100, s1  }
0x185: {  	v0 =	vadd.f32 v0, v6  }
0x186: {  	v3 =	vadd.f32 v3, v7  }
0x187: {  	v0 =	vadd.f32 v1, v0  }
0x188: {  	v1 =	vadd.f32 v4, v3  }
0x189: {  	v0 =	vadd.f32 v2, v0  }
0x18a: {  	v1 =	vadd.f32 v5, v1  }
0x18b: {  	[tilespmem:s29+$0x64C0] =	vst v0  }
0x18c: {  	s0 =	sadd.s32 @!p0 $0xAF0, s30;
	s1 =	simm.s32 @!p0 $0x80;
	s31 =	simm.s32 @!p0 $0x10A00;
	[tilespmem:s29+$0x64D0] =	vst v1  }
0x18d: {  	[tilespmem:s31], [sflag:$0x7] =	stream.indirect.gather @!p0 [hbm4b:s3+s1], $0x20, s0, s1, $0xb8;
	[tilespmem:$0x13C00] =	vst v63  }
0x18e: {  	s0 =	sadd.s32 @!p0 $0xB70, s30;
	s1 =	simm.s32 @!p0 $0x48;
	s30 =	simm.s32 @!p0 $0x11A00  }
0x18f: {  	[tilespmem:s30], [sflag:$0x7] =	stream.indirect.gather @!p0 [hbm4b:s3+s1], $0x20, s0, s1, $0xb8;
	[tilespmem:$0x13C00] =	vst v63  }
0x190: {  	_ =	swait.ge [sflag:s24], $0x1000  }
0x191: {  	[sflag:s24] =	ssyncset.done $0x0  }
0x192: {  	[sflag:s24] =	ssyncadd.s32 $0xFFFFF000  }
0x193: {  	_ =	swait.ge [sflag:s24], $0x900  }
0x194: {  	[sflag:s24] =	ssyncset.done $0x0  }
0x195: {  	s31 =	simm.s32 $0x12380;
	[sflag:s24] =	ssyncadd.s32 $0xFFFFF700  }
0x196: {  	v0 =	vld [tilespmem:s31+$0xFFFFFF80]  }
0x197: {  	v1 =	vld [tilespmem:s31+$0xFFFFFF90]  }
0x198: {  	v2 =	vld [tilespmem:s31+$0xFFFFFFA0]  }
0x199: {  	v3 =	vld [tilespmem:s31+$0xFFFFFFB0]  }
0x19a: {  	v4 =	vld [tilespmem:s31+$0xFFFFFFC0]  }
0x19b: {  	v6 =	vimm.f32 $0.0e+00;
	v5 =	vld [tilespmem:s31+$0xFFFFFFD0]  }
0x19c: {  	v7 =	vld [tilespmem:s31+$0xFFFFFFE0];
	v0 =	vadd.f32 v0, v6;
	v1 =	vadd.f32 v1, v6  }
0x19d: {  	v6 =	vld [tilespmem:s31+$0xFFFFFFF0]  }
0x19e: {  	v8 =	vld [tilespmem:s31+$0x0];
	v2 =	vadd.f32 v2, v0;
	v1 =	vadd.f32 v3, v1  }
0x19f: {  	v9 =	vld [tilespmem:s31+$0x10]  }
0x1a0: {  	v0 =	vld [tilespmem:s31+$0x20];
	v2 =	vadd.f32 v4, v2;
	v4 =	vadd.f32 v5, v1  }
0x1a1: {  	v3 =	vld [tilespmem:s31+$0x30]  }
0x1a2: {  	v1 =	vld [tilespmem:s31+$0x40];
	v5 =	vadd.f32 v7, v2;
	v7 =	vadd.f32 v6, v4  }
0x1a3: {  	v4 =	vld [tilespmem:s31+$0x50]  }
0x1a4: {  	v2 =	vld [tilespmem:s31+$0x60];
	v6 =	vadd.f32 v8, v5;
	v7 =	vadd.f32 v9, v7  }
0x1a5: {  	s30 =	simm.s32 $0x0;
	s1 =	simm.s32 $0x12480;
	v5 =	vld [tilespmem:s31+$0x70]  }
.LBB2_17:
0x1a6: {  	v8 =	vld [tilespmem:s1+$0xFFFFFF80];
	v0 =	vadd.f32 v0, v6;
	v3 =	vadd.f32 v3, v7  }
0x1a7: {  	s30 =	sadd.s32 $0x8, s30;
	v6 =	vld [tilespmem:s1+$0xFFFFFF90]  }
0x1a8: {  	p1 =	slt.u32 s30, $0xC0;
	v7 =	vld [tilespmem:s1+$0xFFFFFFA0];
	v0 =	vadd.f32 v1, v0;
	v1 =	vadd.f32 v4, v3  }
0x1a9: {  	v3 =	vld [tilespmem:s1+$0xFFFFFFB0]  }
0x1aa: {  	v4 =	vld [tilespmem:s1+$0xFFFFFFC0];
	v0 =	vadd.f32 v2, v0;
	v1 =	vadd.f32 v5, v1  }
0x1ab: {  	v2 =	vld [tilespmem:s1+$0xFFFFFFD0]  }
0x1ac: {  	v0 =	vadd.f32 v8, v0;
	v1 =	vadd.f32 v6, v1;
	v5 =	vld [tilespmem:s1+$0xFFFFFFE0]  }
0x1ad: {  	v6 =	vld [tilespmem:s1+$0xFFFFFFF0]  }
0x1ae: {  	v0 =	vadd.f32 v7, v0;
	v1 =	vadd.f32 v3, v1;
	v7 =	vld [tilespmem:s1+$0x0]  }
0x1af: {  	v8 =	vld [tilespmem:s1+$0x10]  }
0x1b0: {  	v4 =	vadd.f32 v4, v0;
	v1 =	vadd.f32 v2, v1;
	v0 =	vld [tilespmem:s1+$0x20]  }
.Ltmp9:
0x1b1: {  	v3 =	vld [tilespmem:s1+$0x30];
	(pc) =	sbr.rel @p1 .LBB2_17-.Ltmp9, $4  }
0x1b2: {  	v2 =	vadd.f32 v5, v4;
	v5 =	vadd.f32 v6, v1;
	v1 =	vld [tilespmem:s1+$0x40]  }
0x1b3: {  	v4 =	vld [tilespmem:s1+$0x50]  }
0x1b4: {  	v6 =	vadd.f32 v7, v2;
	v7 =	vadd.f32 v8, v5;
	v2 =	vld [tilespmem:s1+$0x60]  }
0x1b5: {  	v5 =	vld [tilespmem:s1+$0x70];
	s1 =	sadd.s32 $0x100, s1  }
0x1b6: {  	v0 =	vadd.f32 v0, v6  }
0x1b7: {  	v3 =	vadd.f32 v3, v7  }
0x1b8: {  	v0 =	vadd.f32 v1, v0  }
.Ltmp10:
0x1b9: {  	v63 =	vadd.f32 v4, v3;
	(pc) =	sbr.rel @p0 .LBB2_20-.Ltmp10, $4  }
0x1ba: {  	v0 =	vadd.f32 v2, v0  }
0x1bb: {  	v1 =	vadd.f32 v5, v63  }
0x1bc: {  	[tilespmem:s29+$0x64E0] =	vst v0  }
0x1bd: {  	[tilespmem:s29+$0x64F0] =	vst v1  }
0x1be: {  	s0 =	smul.u32 $0x1900, s28;
	_ =	sdelay $0x1  }
.Ltmp11:
0x1bf: {  	s0 =	sshra.s32 s0, $0x2;
	(pc) =	sbr.rel .LBB2_2-.Ltmp11, $4  }
0x1c0: {  	s1 =	sadd.s32 $0xBB8, s0  }
0x1c1: {  	[tilespmem:s14], [sflag:$0x8] =	stream.indirect.gather [hbm4b:s3+s8], $0x20, s1, s8, $0xb8;
	[tilespmem:$0x13C00] =	vst v63  }
0x1c2: {  	s28 =	sadd.s32 $0x1, s28;
	s0 =	sadd.s32 $0xC38, s0  }
0x1c3: {  	[tilespmem:s16], [sflag:$0x8] =	stream.indirect.gather [hbm4b:s3+s10], $0x20, s0, s10, $0xb8;
	[tilespmem:$0x13C00] =	vst v63  }
.LBB2_21:
0x1c4: {  	_ =	sfence.sel $0x180000  }
0x1c5: {  	[bflag:$0x0] =	sbarrier.arrive $0xFFFF  }
0x1c6: {  	_ =	strace $0x90000047  }
0x1c7: {  	s0 =	stileid.u32;
	[bflag:$0x2] =	sbarrier.arrive $0xFFFF  }
0x1c8: {  	p0 =	sne.s32 s0, $0x0;
	s0 =	rddreg [dreg:$0x1]  }
0x1c9: {  	s0 =	sadd.s32 @!p0 $0x100000, s0  }
0x1ca: {  	[sflag:s0] =	ssyncadd.tile.s32 @!p0 $0x1;
	_ =	shalt  }
.Lfunc_end2:
_tile_overlayer_lowered:
.L_overlay_start_2:
0x1cb: {  	(tag) =	ssettag $0x2  }
0x1cc: {  	s0 =	rddreg [dreg:$0x0];
	s2 =	stileid.u32  }
0x1cd: {  	s1 =	rddreg [dreg:$0x1];
	p0 =	sne.s32 s2, $0x0  }
0x1ce: {  	s3 =	rddreg [dreg:$0x2];
	[bflag:$0x3] =	sbarrier.arrive $0xFFFF;
	s2 =	simm.s32 @!p0 $0x1C09  }
0x1cf: {  	[timem:s3], [sflag:s2] =	dma.local @!p0 [hbm:s0], s1  }
0x1d0: {  	s0 =	simm.s32 @!p0 $0x9  }
0x1d1: {  	_ =	swait.ge @!p0 [sflag:s0], s1  }
0x1d2: {  	s1 =	ssub.s32 @!p0 $0x0, s1;
	[sflag:s0] =	ssyncset.done @!p0 $0x0  }
0x1d3: {  	[sflag:s0] =	ssyncadd.s32 @!p0 s1  }
0x1d4: {  	[bflag:$0x3] =	sbarrier.arrive $0xFFFF  }
0x1d5: {  	_ =	shalt  }

</sc_bundles>
